<compile_context>
chip_gen: v7x
topology: tpu7x:2x2x1
jax: 0.10.2.dev20260603
libtpu: 0.0.44.dev20260713+nightly
codegen_flags: <defaults>
</compile_context>

<pallas_src>
import functools

import jax
import jax.numpy as jnp
from jax import lax
from jax.experimental import pallas as pl
from jax.experimental.pallas import tpu as pltpu
from jax.experimental.pallas import tpu_sc as plsc

T = 2048
D = 768
I = 2048
E = 64
CAP = 128
NSLOT = E * CAP
CHUNK = 256
NW = 32
SC_CHUNK = 128


def _router_body(x_ref, rw_ref, disp_ref, s0_ref, s1_ref, w0_ref, w1_ref,
                 ohsum_ref, c_ref):
    x = x_ref[...]
    rw = rw_ref[...]
    logits = jax.lax.dot_general(x, rw, (((1,), (1,)), ((), ())),
                                 preferred_element_type=jnp.float32)
    eidx = jax.lax.broadcasted_iota(jnp.int32, (T, E), 1)
    big_neg = jnp.float32(-1e30)
    m1 = jnp.max(logits, axis=1, keepdims=True)
    i1 = jnp.min(jnp.where(logits == m1, eidx, E), axis=1, keepdims=True)
    oh1 = (eidx == i1)
    masked = jnp.where(oh1, big_neg, logits)
    m2 = jnp.max(masked, axis=1, keepdims=True)
    i2 = jnp.min(jnp.where(masked == m2, eidx, E), axis=1, keepdims=True)
    oh2 = (eidx == i2)
    g1 = jax.nn.sigmoid(m1 - m2)
    g2 = jax.nn.sigmoid(m2 - m1)
    oh1f = oh1.astype(jnp.float32)
    oh2f = oh2.astype(jnp.float32)
    ohsum_ref[...] = oh1f + oh2f

    tri = (jax.lax.broadcasted_iota(jnp.int32, (CHUNK, CHUNK), 0)
           > jax.lax.broadcasted_iota(jnp.int32, (CHUNK, CHUNK), 1)
           ).astype(jnp.float32)

    def body(ci, carry):
        ohc = ohsum_ref[pl.ds(ci * CHUNK, CHUNK), :]
        c_ref[pl.ds(ci * CHUNK, CHUNK), :] = carry + jax.lax.dot_general(
            tri, ohc, (((1,), (0,)), ((), ())),
            preferred_element_type=jnp.float32)
        return carry + jnp.sum(ohc, axis=0, keepdims=True)

    jax.lax.fori_loop(0, T // CHUNK, body, jnp.zeros((1, E), jnp.float32))
    cnt = c_ref[...]
    pos1 = jnp.sum(cnt * oh1f, axis=1, keepdims=True)
    pos2 = jnp.sum(cnt * oh2f, axis=1, keepdims=True)
    piota = jax.lax.broadcasted_iota(jnp.int32, (T, CAP), 1)
    ohp1 = (piota == pos1.astype(jnp.int32)).astype(jnp.float32)
    ohp2 = (piota == pos2.astype(jnp.int32)).astype(jnp.float32)
    tokv = jax.lax.broadcasted_iota(jnp.int32, (T, 1), 0).astype(jnp.float32)
    dn = (((0,), (0,)), ((), ()))
    hi = jax.lax.Precision.HIGHEST
    tokp1 = (
        jax.lax.dot_general(oh1f * (tokv + 1.0), ohp1, dn, precision=hi,
                            preferred_element_type=jnp.float32)
        + jax.lax.dot_general(oh2f * (tokv + 1.0), ohp2, dn, precision=hi,
                              preferred_element_type=jnp.float32))
    spread = jnp.bitwise_and(
        jax.lax.broadcasted_iota(jnp.int32, (E, CAP), 0) * CAP
        + jax.lax.broadcasted_iota(jnp.int32, (E, CAP), 1), T - 1)
    toki = tokp1.astype(jnp.int32)
    disp_ref[...] = jnp.where(toki == 0, spread, toki - 1)

    pos1i = pos1.astype(jnp.int32)
    pos2i = pos2.astype(jnp.int32)
    s0_ref[...] = i1 * CAP + jnp.minimum(pos1i, CAP - 1)
    s1_ref[...] = i2 * CAP + jnp.minimum(pos2i, CAP - 1)
    w0_ref[...] = jnp.where(pos1i < CAP, g1, 0.0)
    w1_ref[...] = jnp.where(pos2i < CAP, g2, 0.0)


def _expert_body(xe_ref, eg_ref, eu_ref, ed_ref,
                 egs_ref, eus_ref, eds_ref, ys_ref):
    hb = xe_ref[...].astype(jnp.bfloat16)
    dn_t = (((1,), (1,)), ((), ()))
    g = jax.lax.dot_general(hb, eg_ref[0].astype(jnp.bfloat16), dn_t,
                            preferred_element_type=jnp.float32) * egs_ref[0, 0, 0]
    u = jax.lax.dot_general(hb, eu_ref[0].astype(jnp.bfloat16), dn_t,
                            preferred_element_type=jnp.float32) * eus_ref[0, 0, 0]
    a = (g * jax.nn.sigmoid(g) * u).astype(jnp.bfloat16)
    ys_ref[...] = jax.lax.dot_general(a, ed_ref[0].astype(jnp.bfloat16), dn_t,
                                      preferred_element_type=jnp.float32
                                      ) * eds_ref[0, 0, 0]


def _make_sc_gather(n_rows):
    per_w = n_rows // NW
    chunks = per_w // SC_CHUNK
    mesh = plsc.VectorSubcoreMesh(core_axis_name="c", subcore_axis_name="s")

    @functools.partial(
        pl.kernel,
        out_type=jax.ShapeDtypeStruct((n_rows, D), jnp.float32),
        mesh=mesh,
        scratch_types=[pltpu.VMEM((SC_CHUNK,), jnp.int32),
                       pltpu.VMEM((SC_CHUNK, D), jnp.float32),
                       pltpu.SemaphoreType.DMA],
    )
    def gather(table_hbm, idx_hbm, out_hbm, idx_v, rows_v, sem):
        wid = lax.axis_index("s") * 2 + lax.axis_index("c")
        base = wid * per_w
        for c in range(chunks):
            off = base + c * SC_CHUNK
            pltpu.sync_copy(idx_hbm.at[pl.ds(off, SC_CHUNK)], idx_v)
            pltpu.async_copy(table_hbm.at[idx_v], rows_v, sem).wait()
            pltpu.sync_copy(rows_v, out_hbm.at[pl.ds(off, SC_CHUNK)])

    return gather


_sc_dispatch = _make_sc_gather(NSLOT)
_sc_combine = _make_sc_gather(2 * T)


def _shared_body(xbf_ref, sg_ref, su_ref, sd_ref,
                 sgs_ref, sus_ref, sds_ref, out_ref,
                 sgb_ref, sub_ref, sdb_ref):
    i = pl.program_id(0)

    @pl.when(i == 0)
    def _cvt():
        sgb_ref[...] = sg_ref[...].astype(jnp.bfloat16)
        sub_ref[...] = su_ref[...].astype(jnp.bfloat16)
        sdb_ref[...] = sd_ref[...].astype(jnp.bfloat16)

    xb = xbf_ref[...]
    dn_t = (((1,), (1,)), ((), ()))
    g = jax.lax.dot_general(xb, sgb_ref[...], dn_t,
                            preferred_element_type=jnp.float32) * sgs_ref[0, 0]
    u = jax.lax.dot_general(xb, sub_ref[...], dn_t,
                            preferred_element_type=jnp.float32) * sus_ref[0, 0]
    a = (g * jax.nn.sigmoid(g) * u).astype(jnp.bfloat16)
    out_ref[...] = jax.lax.dot_general(a, sdb_ref[...], dn_t,
                                       preferred_element_type=jnp.float32
                                       ) * sds_ref[0, 0]


def _final_body(sh_ref, y0_ref, y1_ref, w0_ref, w1_ref, out_ref):
    out_ref[...] = (sh_ref[...] + w0_ref[...] * y0_ref[...]
                    + w1_ref[...] * y1_ref[...])


def kernel(x, router_weight, eg_w, eg_s, eu_w, eu_s, ed_w, ed_s,
           sg_w, sg_s, su_w, su_s, sd_w, sd_s):
    xbf = x.astype(jnp.bfloat16)

    disp, s0, s1, w0, w1 = pl.pallas_call(
        _router_body,
        out_shape=[jax.ShapeDtypeStruct((E, CAP), jnp.int32),
                   jax.ShapeDtypeStruct((T, 1), jnp.int32),
                   jax.ShapeDtypeStruct((T, 1), jnp.int32),
                   jax.ShapeDtypeStruct((T, 1), jnp.float32),
                   jax.ShapeDtypeStruct((T, 1), jnp.float32)],
        scratch_shapes=[pltpu.VMEM((T, E), jnp.float32),
                        pltpu.VMEM((T, E), jnp.float32)],
    )(x, router_weight)

    TB = 256
    shared = pl.pallas_call(
        _shared_body,
        grid=(T // TB,),
        in_specs=[
            pl.BlockSpec((TB, D), lambda i: (i, 0)),
            pl.BlockSpec((I, D), lambda i: (0, 0)),
            pl.BlockSpec((I, D), lambda i: (0, 0)),
            pl.BlockSpec((D, I), lambda i: (0, 0)),
            pl.BlockSpec((1, 1), lambda i: (0, 0)),
            pl.BlockSpec((1, 1), lambda i: (0, 0)),
            pl.BlockSpec((1, 1), lambda i: (0, 0)),
        ],
        out_specs=pl.BlockSpec((TB, D), lambda i: (i, 0)),
        out_shape=jax.ShapeDtypeStruct((T, D), jnp.float32),
        scratch_shapes=[pltpu.VMEM((I, D), jnp.bfloat16),
                        pltpu.VMEM((I, D), jnp.bfloat16),
                        pltpu.VMEM((D, I), jnp.bfloat16)],
    )(xbf, sg_w, su_w, sd_w,
      sg_s.reshape(1, 1), su_s.reshape(1, 1), sd_s.reshape(1, 1))

    xe = _sc_dispatch(x, disp.reshape(NSLOT))

    ys = pl.pallas_call(
        _expert_body,
        grid=(E,),
        in_specs=[
            pl.BlockSpec((CAP, D), lambda e: (e, 0)),
            pl.BlockSpec((1, I, D), lambda e: (e, 0, 0)),
            pl.BlockSpec((1, I, D), lambda e: (e, 0, 0)),
            pl.BlockSpec((1, D, I), lambda e: (e, 0, 0)),
            pl.BlockSpec((1, 1, 1), lambda e: (e, 0, 0)),
            pl.BlockSpec((1, 1, 1), lambda e: (e, 0, 0)),
            pl.BlockSpec((1, 1, 1), lambda e: (e, 0, 0)),
        ],
        out_specs=pl.BlockSpec((CAP, D), lambda e: (e, 0)),
        out_shape=jax.ShapeDtypeStruct((NSLOT, D), jnp.float32),
    )(xe, eg_w, eu_w, ed_w,
      eg_s.reshape(E, 1, 1), eu_s.reshape(E, 1, 1), ed_s.reshape(E, 1, 1))

    slots = jnp.concatenate([s0.reshape(T), s1.reshape(T)])
    ytok = _sc_combine(ys, slots)

    out = pl.pallas_call(
        _final_body,
        grid=(T // TB,),
        in_specs=[
            pl.BlockSpec((TB, D), lambda i: (i, 0)),
            pl.BlockSpec((TB, D), lambda i: (i, 0)),
            pl.BlockSpec((TB, D), lambda i: (i + T // TB, 0)),
            pl.BlockSpec((TB, 1), lambda i: (i, 0)),
            pl.BlockSpec((TB, 1), lambda i: (i, 0)),
        ],
        out_specs=pl.BlockSpec((TB, D), lambda i: (i, 0)),
        out_shape=jax.ShapeDtypeStruct((T, D), jnp.float32),
    )(shared, ytok, ytok, w0, w1)
    return out

# --- scband reference (transcript-rebuilt; emitter-appended) ---
"""Pipeline reference for scband-outlier-paged-model-30992484008195 (READ-ONLY COPY).

The authoritative reference and input builder live on the scoring server;
editing this copy changes nothing except your own understanding.
"""

import jax, jax.numpy as jnp
import numpy as np

T = 2048
HIDDEN = 768
INTER = 2048
E = 64
TOPK = 2
CAP = 128  # ceil(T*TOPK/E * capacity_factor=2.0)


def _silu(v):
    return v * jax.nn.sigmoid(v)


def setup_inputs(seed: int = 0) -> dict:
    key = jax.random.key(seed)
    ks = jax.random.split(key, 16)
    x = jax.random.normal(ks[0], (T, HIDDEN), dtype=jnp.float32)
    router_weight = jax.random.normal(ks[1], (E, HIDDEN), dtype=jnp.float32) * 0.02
    # ternary paged expert weights {-1,0,+1} stored as int8, per-tensor (per-expert) scale
    eg_w = jax.random.randint(ks[2], (E, INTER, HIDDEN), -1, 2).astype(jnp.int8)
    eu_w = jax.random.randint(ks[3], (E, INTER, HIDDEN), -1, 2).astype(jnp.int8)
    ed_w = jax.random.randint(ks[4], (E, HIDDEN, INTER), -1, 2).astype(jnp.int8)
    eg_s = jax.random.uniform(ks[5], (E,), jnp.float32, 0.01, 0.05)
    eu_s = jax.random.uniform(ks[6], (E,), jnp.float32, 0.01, 0.05)
    ed_s = jax.random.uniform(ks[7], (E,), jnp.float32, 0.01, 0.05)
    # int8 shared expert (SwiGLU) with per-tensor scale
    sg_w = jax.random.randint(ks[8], (INTER, HIDDEN), -127, 128).astype(jnp.int8)
    su_w = jax.random.randint(ks[9], (INTER, HIDDEN), -127, 128).astype(jnp.int8)
    sd_w = jax.random.randint(ks[10], (HIDDEN, INTER), -127, 128).astype(jnp.int8)
    sg_s = jnp.full((1,), 0.0005, dtype=jnp.float32)
    su_s = jnp.full((1,), 0.0005, dtype=jnp.float32)
    sd_s = jnp.full((1,), 0.0005, dtype=jnp.float32)
    return {"x": x, "router_weight": router_weight,
            "eg_w": eg_w, "eg_s": eg_s, "eu_w": eu_w, "eu_s": eu_s,
            "ed_w": ed_w, "ed_s": ed_s,
            "sg_w": sg_w, "sg_s": sg_s, "su_w": su_w, "su_s": su_s,
            "sd_w": sd_w, "sd_s": sd_s}


def reference(x, router_weight, eg_w, eg_s, eu_w, eu_s, ed_w, ed_s,
              sg_w, sg_s, su_w, su_s, sd_w, sd_s):
    Tn, D = x.shape
    En = router_weight.shape[0]
    # router: logits -> softmax -> top-k -> renormalized gates
    logits = x @ router_weight.T                       # [T, E]
    probs = jax.nn.softmax(logits, axis=-1)
    top_vals, top_idx = jax.lax.top_k(probs, TOPK)     # [T, k]
    gates = top_vals / jnp.sum(top_vals, axis=-1, keepdims=True)
    idx_flat = top_idx.reshape(-1)                     # [T*k]
    gate_flat = gates.reshape(-1)                      # [T*k]
    # capacity-based dispatch (position within expert via cumsum of one-hot)
    ohf = jax.nn.one_hot(idx_flat, En, dtype=jnp.float32)        # [T*k, E]
    pos = jnp.sum((jnp.cumsum(ohf, axis=0) - 1.0) * ohf, axis=1).astype(jnp.int32)
    keep = (pos < CAP).astype(x.dtype)
    pos_c = jnp.clip(pos, 0, CAP - 1)
    x_rep = jnp.repeat(x, TOPK, axis=0)                # [T*k, D], matches row-major flatten of [T,k]
    xe = jnp.zeros((En, CAP, D), x.dtype).at[idx_flat, pos_c].add(x_rep * keep[:, None])
    # ternary SwiGLU experts, dequantized per-expert (never materialize all fp weights)
    ys = []
    for e in range(En):
        h = xe[e]                                      # [CAP, D]
        g = _silu((h @ eg_w[e].astype(jnp.float32).T) * eg_s[e])
        u = (h @ eu_w[e].astype(jnp.float32).T) * eu_s[e]
        ys.append(((g * u) @ ed_w[e].astype(jnp.float32).T) * ed_s[e])
    ys = jnp.stack(ys)                                 # [E, CAP, D]
    # combine: gather expert outputs back to token order, weight by gates
    y_tok = ys[idx_flat, pos_c] * (keep * gate_flat)[:, None]
    moe_out = y_tok.reshape(Tn, TOPK, D).sum(axis=1)
    # int8 shared expert SwiGLU
    sg = _silu((x @ sg_w.astype(jnp.float32).T) * sg_s[0])
    su = (x @ su_w.astype(jnp.float32).T) * su_s[0]
    shared_out = ((sg * su) @ sd_w.astype(jnp.float32).T) * sd_s[0]
    return shared_out + moe_out

if __name__ == "__main__":
    import jax
    _d = setup_inputs()
    print(jax.jit(kernel)(*tuple(_d.values())))

</pallas_src>

<mosaic_0001>
#map = affine_map<(d0, d1) -> (0, 0)>
#map1 = affine_map<(d0, d1) -> (0)>
module attributes {stable_mosaic.version = 14 : i64} {
  func.func @gather(%arg0: i32, %arg1: i32, %arg2: memref<2048x768xf32, #tpu.memory_space<hbm>>, %arg3: memref<8192xi32, #tpu.memory_space<hbm>>, %arg4: memref<8192x768xf32, #tpu.memory_space<hbm>>, %arg5: memref<128xi32, #tpu.memory_space<vmem>>, %arg6: memref<128x768xf32, #tpu.memory_space<vmem>>, %arg7: memref<!tpu.dma_semaphore, #tpu.memory_space<semaphore_mem>>) attributes {dimension_semantics = [#tpu.dimension_semantics<core_parallel>, #tpu.dimension_semantics<subcore_parallel>], iteration_bounds = array<i64: 2, 16>, scalar_prefetch = 0 : i64, scratch_operands = 3 : i64, tpu.core_type = #tpu.core_type<sc_vector_subcore>, window_params = [{transform_indices = #map}, {transform_indices = #map1}, {transform_indices = #map}]} {
    %mul3A = arith.constant 2 : i32
    %mul3A_0 = arith.muli %arg1, %mul3A : i32
    %add3A = arith.addi %mul3A_0, %arg0 : i32
    %mul3A_1 = arith.constant 256 : i32
    %mul3A_2 = arith.muli %add3A, %mul3A_1 : i32
    %add3A_3 = arith.constant 0 : i32
    %add3A_4 = arith.addi %mul3A_2, %add3A_3 : i32
    "tpu.region"() ({
      %run_scoped3A = tpu.sem_alloc : memref<!tpu.dma_semaphore, #tpu.memory_space<semaphore_mem>>
      %dma_start3A_17 = tpu.memref_slice %arg3[%add3A_4] : memref<8192xi32, #tpu.memory_space<hbm>> -> memref<128xi32, #tpu.memory_space<hbm>>
      %dma_start3A_18 = tpu.memref_slice %arg3[%add3A_4] : memref<8192xi32, #tpu.memory_space<hbm>> -> memref<128xi32, #tpu.memory_space<hbm>>
      tpu.enqueue_dma source(%dma_start3A_18 : memref<128xi32, #tpu.memory_space<hbm>>) target(%arg5 : memref<128xi32, #tpu.memory_space<vmem>>) target_semaphore(%run_scoped3A : memref<!tpu.dma_semaphore, #tpu.memory_space<semaphore_mem>>)
      %dma_wait3A_19 = tpu.memref_slice %arg3[%add3A_4] : memref<8192xi32, #tpu.memory_space<hbm>> -> memref<128xi32, #tpu.memory_space<hbm>>
      %dma_wait3A_20 = tpu.memref_slice %arg3[%add3A_4] : memref<8192xi32, #tpu.memory_space<hbm>> -> memref<128xi32, #tpu.memory_space<hbm>>
      tpu.wait_dma2 semaphore(%run_scoped3A : memref<!tpu.dma_semaphore, #tpu.memory_space<semaphore_mem>>) src(%dma_wait3A_20 : memref<128xi32, #tpu.memory_space<hbm>>) dst(%arg5 : memref<128xi32, #tpu.memory_space<vmem>>)
      tpu.yield
    }) : () -> ()
    %dma_start3A = arith.constant 0 : i32
    %dma_start3A_5 = arith.constant 0 : i32
    %dma_start3A_6 = tpu.memref_slice %arg2[%dma_start3A, %dma_start3A_5] : memref<2048x768xf32, #tpu.memory_space<hbm>> -> memref<2048x768xf32, #tpu.memory_space<hbm>>
    tpu.enqueue_indirect_dma source(%dma_start3A_6 : memref<2048x768xf32, #tpu.memory_space<hbm>>) target(%arg6 : memref<128x768xf32, #tpu.memory_space<vmem>>) offsets(%arg5 : memref<128xi32, #tpu.memory_space<vmem>>) semaphore(%arg7 : memref<!tpu.dma_semaphore, #tpu.memory_space<semaphore_mem>>)
    %dma_wait3A = arith.constant 0 : i32
    %dma_wait3A_7 = arith.constant 0 : i32
    %dma_wait3A_8 = tpu.memref_slice %arg2[%dma_wait3A, %dma_wait3A_7] : memref<2048x768xf32, #tpu.memory_space<hbm>> -> memref<2048x768xf32, #tpu.memory_space<hbm>>
    tpu.wait_indirect_dma semaphore(%arg7 : memref<!tpu.dma_semaphore, #tpu.memory_space<semaphore_mem>>) src(%dma_wait3A_8 : memref<2048x768xf32, #tpu.memory_space<hbm>>) dst(%arg6 : memref<128x768xf32, #tpu.memory_space<vmem>>)
    "tpu.region"() ({
      %run_scoped3A = tpu.sem_alloc : memref<!tpu.dma_semaphore, #tpu.memory_space<semaphore_mem>>
      %dma_start3A_17 = arith.constant 0 : i32
      %dma_start3A_18 = tpu.memref_slice %arg4[%add3A_4, %dma_start3A_17] : memref<8192x768xf32, #tpu.memory_space<hbm>> -> memref<128x768xf32, #tpu.memory_space<hbm>>
      %dma_start3A_19 = arith.constant 0 : i32
      %dma_start3A_20 = tpu.memref_slice %arg4[%add3A_4, %dma_start3A_19] : memref<8192x768xf32, #tpu.memory_space<hbm>> -> memref<128x768xf32, #tpu.memory_space<hbm>>
      tpu.enqueue_dma source(%arg6 : memref<128x768xf32, #tpu.memory_space<vmem>>) target(%dma_start3A_20 : memref<128x768xf32, #tpu.memory_space<hbm>>) target_semaphore(%run_scoped3A : memref<!tpu.dma_semaphore, #tpu.memory_space<semaphore_mem>>)
      %dma_wait3A_21 = arith.constant 0 : i32
      %dma_wait3A_22 = tpu.memref_slice %arg4[%add3A_4, %dma_wait3A_21] : memref<8192x768xf32, #tpu.memory_space<hbm>> -> memref<128x768xf32, #tpu.memory_space<hbm>>
      %dma_wait3A_23 = arith.constant 0 : i32
      %dma_wait3A_24 = tpu.memref_slice %arg4[%add3A_4, %dma_wait3A_23] : memref<8192x768xf32, #tpu.memory_space<hbm>> -> memref<128x768xf32, #tpu.memory_space<hbm>>
      tpu.wait_dma2 semaphore(%run_scoped3A : memref<!tpu.dma_semaphore, #tpu.memory_space<semaphore_mem>>) src(%arg6 : memref<128x768xf32, #tpu.memory_space<vmem>>) dst(%dma_wait3A_24 : memref<128x768xf32, #tpu.memory_space<hbm>>)
      tpu.yield
    }) : () -> ()
    %add3A_9 = arith.constant 128 : i32
    %add3A_10 = arith.addi %mul3A_2, %add3A_9 : i32
    "tpu.region"() ({
      %run_scoped3A = tpu.sem_alloc : memref<!tpu.dma_semaphore, #tpu.memory_space<semaphore_mem>>
      %dma_start3A_17 = tpu.memref_slice %arg3[%add3A_10] : memref<8192xi32, #tpu.memory_space<hbm>> -> memref<128xi32, #tpu.memory_space<hbm>>
      %dma_start3A_18 = tpu.memref_slice %arg3[%add3A_10] : memref<8192xi32, #tpu.memory_space<hbm>> -> memref<128xi32, #tpu.memory_space<hbm>>
      tpu.enqueue_dma source(%dma_start3A_18 : memref<128xi32, #tpu.memory_space<hbm>>) target(%arg5 : memref<128xi32, #tpu.memory_space<vmem>>) target_semaphore(%run_scoped3A : memref<!tpu.dma_semaphore, #tpu.memory_space<semaphore_mem>>)
      %dma_wait3A_19 = tpu.memref_slice %arg3[%add3A_10] : memref<8192xi32, #tpu.memory_space<hbm>> -> memref<128xi32, #tpu.memory_space<hbm>>
      %dma_wait3A_20 = tpu.memref_slice %arg3[%add3A_10] : memref<8192xi32, #tpu.memory_space<hbm>> -> memref<128xi32, #tpu.memory_space<hbm>>
      tpu.wait_dma2 semaphore(%run_scoped3A : memref<!tpu.dma_semaphore, #tpu.memory_space<semaphore_mem>>) src(%dma_wait3A_20 : memref<128xi32, #tpu.memory_space<hbm>>) dst(%arg5 : memref<128xi32, #tpu.memory_space<vmem>>)
      tpu.yield
    }) : () -> ()
    %dma_start3A_11 = arith.constant 0 : i32
    %dma_start3A_12 = arith.constant 0 : i32
    %dma_start3A_13 = tpu.memref_slice %arg2[%dma_start3A_11, %dma_start3A_12] : memref<2048x768xf32, #tpu.memory_space<hbm>> -> memref<2048x768xf32, #tpu.memory_space<hbm>>
    tpu.enqueue_indirect_dma source(%dma_start3A_13 : memref<2048x768xf32, #tpu.memory_space<hbm>>) target(%arg6 : memref<128x768xf32, #tpu.memory_space<vmem>>) offsets(%arg5 : memref<128xi32, #tpu.memory_space<vmem>>) semaphore(%arg7 : memref<!tpu.dma_semaphore, #tpu.memory_space<semaphore_mem>>)
    %dma_wait3A_14 = arith.constant 0 : i32
    %dma_wait3A_15 = arith.constant 0 : i32
    %dma_wait3A_16 = tpu.memref_slice %arg2[%dma_wait3A_14, %dma_wait3A_15] : memref<2048x768xf32, #tpu.memory_space<hbm>> -> memref<2048x768xf32, #tpu.memory_space<hbm>>
    tpu.wait_indirect_dma semaphore(%arg7 : memref<!tpu.dma_semaphore, #tpu.memory_space<semaphore_mem>>) src(%dma_wait3A_16 : memref<2048x768xf32, #tpu.memory_space<hbm>>) dst(%arg6 : memref<128x768xf32, #tpu.memory_space<vmem>>)
    "tpu.region"() ({
      %run_scoped3A = tpu.sem_alloc : memref<!tpu.dma_semaphore, #tpu.memory_space<semaphore_mem>>
      %dma_start3A_17 = arith.constant 0 : i32
      %dma_start3A_18 = tpu.memref_slice %arg4[%add3A_10, %dma_start3A_17] : memref<8192x768xf32, #tpu.memory_space<hbm>> -> memref<128x768xf32, #tpu.memory_space<hbm>>
      %dma_start3A_19 = arith.constant 0 : i32
      %dma_start3A_20 = tpu.memref_slice %arg4[%add3A_10, %dma_start3A_19] : memref<8192x768xf32, #tpu.memory_space<hbm>> -> memref<128x768xf32, #tpu.memory_space<hbm>>
      tpu.enqueue_dma source(%arg6 : memref<128x768xf32, #tpu.memory_space<vmem>>) target(%dma_start3A_20 : memref<128x768xf32, #tpu.memory_space<hbm>>) target_semaphore(%run_scoped3A : memref<!tpu.dma_semaphore, #tpu.memory_space<semaphore_mem>>)
      %dma_wait3A_21 = arith.constant 0 : i32
      %dma_wait3A_22 = tpu.memref_slice %arg4[%add3A_10, %dma_wait3A_21] : memref<8192x768xf32, #tpu.memory_space<hbm>> -> memref<128x768xf32, #tpu.memory_space<hbm>>
      %dma_wait3A_23 = arith.constant 0 : i32
      %dma_wait3A_24 = tpu.memref_slice %arg4[%add3A_10, %dma_wait3A_23] : memref<8192x768xf32, #tpu.memory_space<hbm>> -> memref<128x768xf32, #tpu.memory_space<hbm>>
      tpu.wait_dma2 semaphore(%run_scoped3A : memref<!tpu.dma_semaphore, #tpu.memory_space<semaphore_mem>>) src(%arg6 : memref<128x768xf32, #tpu.memory_space<vmem>>) dst(%dma_wait3A_24 : memref<128x768xf32, #tpu.memory_space<hbm>>)
      tpu.yield
    }) : () -> ()
    return
  }
}

#map = affine_map<(d0, d1) -> (0, 0)>
#map1 = affine_map<(d0, d1) -> (0)>
module attributes {stable_mosaic.version = 14 : i64} {
  func.func @gather(%arg0: i32, %arg1: i32, %arg2: memref<8192x768xf32, #tpu.memory_space<hbm>>, %arg3: memref<4096xi32, #tpu.memory_space<hbm>>, %arg4: memref<4096x768xf32, #tpu.memory_space<hbm>>, %arg5: memref<128xi32, #tpu.memory_space<vmem>>, %arg6: memref<128x768xf32, #tpu.memory_space<vmem>>, %arg7: memref<!tpu.dma_semaphore, #tpu.memory_space<semaphore_mem>>) attributes {dimension_semantics = [#tpu.dimension_semantics<core_parallel>, #tpu.dimension_semantics<subcore_parallel>], iteration_bounds = array<i64: 2, 16>, scalar_prefetch = 0 : i64, scratch_operands = 3 : i64, tpu.core_type = #tpu.core_type<sc_vector_subcore>, window_params = [{transform_indices = #map}, {transform_indices = #map1}, {transform_indices = #map}]} {
    %mul3A = arith.constant 2 : i32
    %mul3A_0 = arith.muli %arg1, %mul3A : i32
    %add3A = arith.addi %mul3A_0, %arg0 : i32
    %mul3A_1 = arith.constant 128 : i32
    %mul3A_2 = arith.muli %add3A, %mul3A_1 : i32
    %add3A_3 = arith.constant 0 : i32
    %add3A_4 = arith.addi %mul3A_2, %add3A_3 : i32
    "tpu.region"() ({
      %run_scoped3A = tpu.sem_alloc : memref<!tpu.dma_semaphore, #tpu.memory_space<semaphore_mem>>
      %dma_start3A_9 = tpu.memref_slice %arg3[%add3A_4] : memref<4096xi32, #tpu.memory_space<hbm>> -> memref<128xi32, #tpu.memory_space<hbm>>
      %dma_start3A_10 = tpu.memref_slice %arg3[%add3A_4] : memref<4096xi32, #tpu.memory_space<hbm>> -> memref<128xi32, #tpu.memory_space<hbm>>
      tpu.enqueue_dma source(%dma_start3A_10 : memref<128xi32, #tpu.memory_space<hbm>>) target(%arg5 : memref<128xi32, #tpu.memory_space<vmem>>) target_semaphore(%run_scoped3A : memref<!tpu.dma_semaphore, #tpu.memory_space<semaphore_mem>>)
      %dma_wait3A_11 = tpu.memref_slice %arg3[%add3A_4] : memref<4096xi32, #tpu.memory_space<hbm>> -> memref<128xi32, #tpu.memory_space<hbm>>
      %dma_wait3A_12 = tpu.memref_slice %arg3[%add3A_4] : memref<4096xi32, #tpu.memory_space<hbm>> -> memref<128xi32, #tpu.memory_space<hbm>>
      tpu.wait_dma2 semaphore(%run_scoped3A : memref<!tpu.dma_semaphore, #tpu.memory_space<semaphore_mem>>) src(%dma_wait3A_12 : memref<128xi32, #tpu.memory_space<hbm>>) dst(%arg5 : memref<128xi32, #tpu.memory_space<vmem>>)
      tpu.yield
    }) : () -> ()
    %dma_start3A = arith.constant 0 : i32
    %dma_start3A_5 = arith.constant 0 : i32
    %dma_start3A_6 = tpu.memref_slice %arg2[%dma_start3A, %dma_start3A_5] : memref<8192x768xf32, #tpu.memory_space<hbm>> -> memref<8192x768xf32, #tpu.memory_space<hbm>>
    tpu.enqueue_indirect_dma source(%dma_start3A_6 : memref<8192x768xf32, #tpu.memory_space<hbm>>) target(%arg6 : memref<128x768xf32, #tpu.memory_space<vmem>>) offsets(%arg5 : memref<128xi32, #tpu.memory_space<vmem>>) semaphore(%arg7 : memref<!tpu.dma_semaphore, #tpu.memory_space<semaphore_mem>>)
    %dma_wait3A = arith.constant 0 : i32
    %dma_wait3A_7 = arith.constant 0 : i32
    %dma_wait3A_8 = tpu.memref_slice %arg2[%dma_wait3A, %dma_wait3A_7] : memref<8192x768xf32, #tpu.memory_space<hbm>> -> memref<8192x768xf32, #tpu.memory_space<hbm>>
    tpu.wait_indirect_dma semaphore(%arg7 : memref<!tpu.dma_semaphore, #tpu.memory_space<semaphore_mem>>) src(%dma_wait3A_8 : memref<8192x768xf32, #tpu.memory_space<hbm>>) dst(%arg6 : memref<128x768xf32, #tpu.memory_space<vmem>>)
    "tpu.region"() ({
      %run_scoped3A = tpu.sem_alloc : memref<!tpu.dma_semaphore, #tpu.memory_space<semaphore_mem>>
      %dma_start3A_9 = arith.constant 0 : i32
      %dma_start3A_10 = tpu.memref_slice %arg4[%add3A_4, %dma_start3A_9] : memref<4096x768xf32, #tpu.memory_space<hbm>> -> memref<128x768xf32, #tpu.memory_space<hbm>>
      %dma_start3A_11 = arith.constant 0 : i32
      %dma_start3A_12 = tpu.memref_slice %arg4[%add3A_4, %dma_start3A_11] : memref<4096x768xf32, #tpu.memory_space<hbm>> -> memref<128x768xf32, #tpu.memory_space<hbm>>
      tpu.enqueue_dma source(%arg6 : memref<128x768xf32, #tpu.memory_space<vmem>>) target(%dma_start3A_12 : memref<128x768xf32, #tpu.memory_space<hbm>>) target_semaphore(%run_scoped3A : memref<!tpu.dma_semaphore, #tpu.memory_space<semaphore_mem>>)
      %dma_wait3A_13 = arith.constant 0 : i32
      %dma_wait3A_14 = tpu.memref_slice %arg4[%add3A_4, %dma_wait3A_13] : memref<4096x768xf32, #tpu.memory_space<hbm>> -> memref<128x768xf32, #tpu.memory_space<hbm>>
      %dma_wait3A_15 = arith.constant 0 : i32
      %dma_wait3A_16 = tpu.memref_slice %arg4[%add3A_4, %dma_wait3A_15] : memref<4096x768xf32, #tpu.memory_space<hbm>> -> memref<128x768xf32, #tpu.memory_space<hbm>>
      tpu.wait_dma2 semaphore(%run_scoped3A : memref<!tpu.dma_semaphore, #tpu.memory_space<semaphore_mem>>) src(%arg6 : memref<128x768xf32, #tpu.memory_space<vmem>>) dst(%dma_wait3A_16 : memref<128x768xf32, #tpu.memory_space<hbm>>)
      tpu.yield
    }) : () -> ()
    return
  }
}

module attributes {stable_mosaic.version = 14 : i64} {
  func.func @_expert_body(%arg0: i32, %arg1: memref<128x768xf32, #tpu.memory_space<vmem>>, %arg2: memref<1x2048x768xi8, #tpu.memory_space<vmem>>, %arg3: memref<1x2048x768xi8, #tpu.memory_space<vmem>>, %arg4: memref<1x768x2048xi8, #tpu.memory_space<vmem>>, %arg5: memref<1x1x1xf32, #tpu.memory_space<vmem>>, %arg6: memref<1x1x1xf32, #tpu.memory_space<vmem>>, %arg7: memref<1x1x1xf32, #tpu.memory_space<vmem>>, %arg8: memref<128x768xf32, #tpu.memory_space<vmem>>) attributes {dimension_semantics = [#tpu.dimension_semantics<arbitrary>], iteration_bounds = array<i64: 64>, scalar_prefetch = 0 : i64, scratch_operands = 0 : i64, tpu.core_type = #tpu.core_type<tc>, window_params = [{transform_indices = @transform_0, window_bounds = array<i64: 128, 768>}, {transform_indices = @transform_1, window_bounds = array<i64: 1, 2048, 768>}, {transform_indices = @transform_2, window_bounds = array<i64: 1, 2048, 768>}, {transform_indices = @transform_3, window_bounds = array<i64: 1, 768, 2048>}, {transform_indices = @transform_4, window_bounds = array<i64: 1, 1, 1>}, {transform_indices = @transform_5, window_bounds = array<i64: 1, 1, 1>}, {transform_indices = @transform_6, window_bounds = array<i64: 1, 1, 1>}, {transform_indices = @transform_7, window_bounds = array<i64: 128, 768>}]} {
    %get3A = arith.constant 0 : index
    %get3A_0 = arith.constant 0 : index
    %get3A_1 = vector.load %arg1[%get3A, %get3A_0] : memref<128x768xf32, #tpu.memory_space<vmem>>, vector<128x768xf32>
    %convert_element_type3A = arith.truncf %get3A_1 : vector<128x768xf32> to vector<128x768xbf16>
    %get3A_2 = arith.constant 0 : index
    %get3A_3 = arith.constant 0 : index
    %get3A_4 = arith.constant 0 : index
    %get3A_5 = vector.load %arg2[%get3A_2, %get3A_3, %get3A_4] : memref<1x2048x768xi8, #tpu.memory_space<vmem>>, vector<1x2048x768xi8>
    %get3A_6 = vector.shape_cast %get3A_5 : vector<1x2048x768xi8> to vector<2048x768xi8>
    %convert_element_type3A_7 = arith.sitofp %get3A_6 : vector<2048x768xi8> to vector<2048x768xbf16>
    %dot_general3A = arith.constant dense<0.000000e+00> : vector<128x2048xf32>
    %dot_general3A_8 = tpu.matmul %convert_element_type3A, %convert_element_type3A_7, %dot_general3A {dimension_numbers = #tpu.dot_dimension_numbers<[1], [1], [0], [0], [0, 0, 1, 0], [], []>, transpose_lhs_hint = false} : vector<128x768xbf16>, vector<2048x768xbf16>, vector<128x2048xf32> -> vector<128x2048xf32>
    %get3A_9 = arith.constant 0 : index
    %get3A_10 = arith.constant 0 : index
    %get3A_11 = arith.constant 0 : index
    %get3A_12 = vector.load %arg5[%get3A_9, %get3A_10, %get3A_11] : memref<1x1x1xf32, #tpu.memory_space<vmem>>, vector<1x1x1xf32>
    %get3A_13 = vector.extract %get3A_12[0, 0, 0] : f32 from vector<1x1x1xf32>
    %mul3A = vector.broadcast %get3A_13 : f32 to vector<128x2048xf32>
    %mul3A_14 = arith.mulf %dot_general3A_8, %mul3A : vector<128x2048xf32>
    %get3A_15 = arith.constant 0 : index
    %get3A_16 = arith.constant 0 : index
    %get3A_17 = arith.constant 0 : index
    %get3A_18 = vector.load %arg3[%get3A_15, %get3A_16, %get3A_17] : memref<1x2048x768xi8, #tpu.memory_space<vmem>>, vector<1x2048x768xi8>
    %get3A_19 = vector.shape_cast %get3A_18 : vector<1x2048x768xi8> to vector<2048x768xi8>
    %convert_element_type3A_20 = arith.sitofp %get3A_19 : vector<2048x768xi8> to vector<2048x768xbf16>
    %dot_general3A_21 = arith.constant dense<0.000000e+00> : vector<128x2048xf32>
    %dot_general3A_22 = tpu.matmul %convert_element_type3A, %convert_element_type3A_20, %dot_general3A_21 {dimension_numbers = #tpu.dot_dimension_numbers<[1], [1], [0], [0], [0, 0, 1, 0], [], []>, transpose_lhs_hint = false} : vector<128x768xbf16>, vector<2048x768xbf16>, vector<128x2048xf32> -> vector<128x2048xf32>
    %get3A_23 = arith.constant 0 : index
    %get3A_24 = arith.constant 0 : index
    %get3A_25 = arith.constant 0 : index
    %get3A_26 = vector.load %arg6[%get3A_23, %get3A_24, %get3A_25] : memref<1x1x1xf32, #tpu.memory_space<vmem>>, vector<1x1x1xf32>
    %get3A_27 = vector.extract %get3A_26[0, 0, 0] : f32 from vector<1x1x1xf32>
    %mul3A_28 = vector.broadcast %get3A_27 : f32 to vector<128x2048xf32>
    %mul3A_29 = arith.mulf %dot_general3A_22, %mul3A_28 : vector<128x2048xf32>
    %logistic3A = arith.negf %mul3A_14 : vector<128x2048xf32>
    %logistic3A_30 = math.exp %logistic3A : vector<128x2048xf32>
    %logistic3A_31 = arith.constant 1.000000e+00 : f32
    %logistic3A_32 = vector.broadcast %logistic3A_31 : f32 to vector<128x2048xf32>
    %logistic3A_33 = arith.addf %logistic3A_32, %logistic3A_30 : vector<128x2048xf32>
    %logistic3A_34 = arith.divf %logistic3A_32, %logistic3A_33 : vector<128x2048xf32>
    %mul3A_35 = arith.mulf %mul3A_14, %logistic3A_34 : vector<128x2048xf32>
    %mul3A_36 = arith.mulf %mul3A_35, %mul3A_29 : vector<128x2048xf32>
    %convert_element_type3A_37 = arith.truncf %mul3A_36 : vector<128x2048xf32> to vector<128x2048xbf16>
    %get3A_38 = arith.constant 0 : index
    %get3A_39 = arith.constant 0 : index
    %get3A_40 = arith.constant 0 : index
    %get3A_41 = vector.load %arg4[%get3A_38, %get3A_39, %get3A_40] : memref<1x768x2048xi8, #tpu.memory_space<vmem>>, vector<1x768x2048xi8>
    %get3A_42 = vector.shape_cast %get3A_41 : vector<1x768x2048xi8> to vector<768x2048xi8>
    %convert_element_type3A_43 = arith.sitofp %get3A_42 : vector<768x2048xi8> to vector<768x2048xbf16>
    %dot_general3A_44 = arith.constant dense<0.000000e+00> : vector<128x768xf32>
    %dot_general3A_45 = tpu.matmul %convert_element_type3A_37, %convert_element_type3A_43, %dot_general3A_44 {dimension_numbers = #tpu.dot_dimension_numbers<[1], [1], [0], [0], [0, 0, 1, 0], [], []>, transpose_lhs_hint = false} : vector<128x2048xbf16>, vector<768x2048xbf16>, vector<128x768xf32> -> vector<128x768xf32>
    %get3A_46 = arith.constant 0 : index
    %get3A_47 = arith.constant 0 : index
    %get3A_48 = arith.constant 0 : index
    %get3A_49 = vector.load %arg7[%get3A_46, %get3A_47, %get3A_48] : memref<1x1x1xf32, #tpu.memory_space<vmem>>, vector<1x1x1xf32>
    %get3A_50 = vector.extract %get3A_49[0, 0, 0] : f32 from vector<1x1x1xf32>
    %mul3A_51 = vector.broadcast %get3A_50 : f32 to vector<128x768xf32>
    %mul3A_52 = arith.mulf %dot_general3A_45, %mul3A_51 : vector<128x768xf32>
    %swap3A = arith.constant 0 : index
    %swap3A_53 = arith.constant 0 : index
    %swap3A_54 = vector.load %arg8[%swap3A, %swap3A_53] : memref<128x768xf32, #tpu.memory_space<vmem>>, vector<128x768xf32>
    tpu.vector_store %arg8[%swap3A, %swap3A_53], %mul3A_52 {strides = array<i32>} : memref<128x768xf32, #tpu.memory_space<vmem>>, vector<128x768xf32>,
    return
  }
  func.func @transform_0(%arg0: i32) -> (i32, i32) {
    %c0_i32 = arith.constant 0 : i32
    %c0_i32_0 = arith.constant 0 : i32
    return %arg0, %c0_i32 : i32, i32
  }
  func.func @transform_1(%arg0: i32) -> (i32, i32, i32) {
    %c0_i32 = arith.constant 0 : i32
    %c0_i32_0 = arith.constant 0 : i32
    %c0_i32_1 = arith.constant 0 : i32
    return %arg0, %c0_i32, %c0_i32_0 : i32, i32, i32
  }
  func.func @transform_2(%arg0: i32) -> (i32, i32, i32) {
    %c0_i32 = arith.constant 0 : i32
    %c0_i32_0 = arith.constant 0 : i32
    %c0_i32_1 = arith.constant 0 : i32
    return %arg0, %c0_i32, %c0_i32_0 : i32, i32, i32
  }
  func.func @transform_3(%arg0: i32) -> (i32, i32, i32) {
    %c0_i32 = arith.constant 0 : i32
    %c0_i32_0 = arith.constant 0 : i32
    %c0_i32_1 = arith.constant 0 : i32
    return %arg0, %c0_i32, %c0_i32_0 : i32, i32, i32
  }
  func.func @transform_4(%arg0: i32) -> (i32, i32, i32) {
    %c0_i32 = arith.constant 0 : i32
    %c0_i32_0 = arith.constant 0 : i32
    %c0_i32_1 = arith.constant 0 : i32
    return %arg0, %c0_i32, %c0_i32_0 : i32, i32, i32
  }
  func.func @transform_5(%arg0: i32) -> (i32, i32, i32) {
    %c0_i32 = arith.constant 0 : i32
    %c0_i32_0 = arith.constant 0 : i32
    %c0_i32_1 = arith.constant 0 : i32
    return %arg0, %c0_i32, %c0_i32_0 : i32, i32, i32
  }
  func.func @transform_6(%arg0: i32) -> (i32, i32, i32) {
    %c0_i32 = arith.constant 0 : i32
    %c0_i32_0 = arith.constant 0 : i32
    %c0_i32_1 = arith.constant 0 : i32
    return %arg0, %c0_i32, %c0_i32_0 : i32, i32, i32
  }
  func.func @transform_7(%arg0: i32) -> (i32, i32) {
    %c0_i32 = arith.constant 0 : i32
    %c0_i32_0 = arith.constant 0 : i32
    return %arg0, %c0_i32 : i32, i32
  }
}

module attributes {stable_mosaic.version = 14 : i64} {
  func.func @_router_body(%arg0: memref<2048x768xf32, #tpu.memory_space<vmem>>, %arg1: memref<64x768xf32, #tpu.memory_space<vmem>>, %arg2: memref<64x128xi32, #tpu.memory_space<vmem>>, %arg3: memref<2048x1xi32, #tpu.memory_space<vmem>>, %arg4: memref<2048x1xi32, #tpu.memory_space<vmem>>, %arg5: memref<2048x1xf32, #tpu.memory_space<vmem>>, %arg6: memref<2048x1xf32, #tpu.memory_space<vmem>>, %arg7: memref<2048x64xf32, #tpu.memory_space<vmem>>, %arg8: memref<2048x64xf32, #tpu.memory_space<vmem>>) attributes {dimension_semantics = [], scalar_prefetch = 0 : i64, scratch_operands = 2 : i64, tpu.core_type = #tpu.core_type<tc>} {
    %get3A = arith.constant 0 : index
    %get3A_0 = arith.constant 0 : index
    %get3A_1 = vector.load %arg0[%get3A, %get3A_0] : memref<2048x768xf32, #tpu.memory_space<vmem>>, vector<2048x768xf32>
    %get3A_2 = arith.constant 0 : index
    %get3A_3 = arith.constant 0 : index
    %get3A_4 = vector.load %arg1[%get3A_2, %get3A_3] : memref<64x768xf32, #tpu.memory_space<vmem>>, vector<64x768xf32>
    %dot_general3A = arith.constant dense<0.000000e+00> : vector<2048x64xf32>
    %dot_general3A_5 = tpu.matmul %get3A_1, %get3A_4, %dot_general3A {dimension_numbers = #tpu.dot_dimension_numbers<[1], [1], [0], [0], [0, 0, 1, 0], [], []>, transpose_lhs_hint = false} : vector<2048x768xf32>, vector<64x768xf32>, vector<2048x64xf32> -> vector<2048x64xf32>
    %iota3A = tpu.iota {dimensions = array<i32: 1>} : vector<2048x64xi32>
    %reduce_max3A = arith.constant dense<0xFF800000> : vector<2048xf32>
    %reduce_max3A_6 = vector.multi_reduction <maximumf>, %dot_general3A_5, %reduce_max3A [1] : vector<2048x64xf32> to vector<2048xf32>
    %broadcast_in_dim3A = vector.shape_cast %reduce_max3A_6 : vector<2048xf32> to vector<2048x1xf32>
    %eq3A = vector.broadcast %broadcast_in_dim3A : vector<2048x1xf32> to vector<2048x64xf32>
    %eq3A_7 = arith.cmpf oeq, %dot_general3A_5, %eq3A : vector<2048x64xf32>
    %jit3A = arith.constant 64 : i32
    %broadcast_in_dim3A_8 = vector.broadcast %jit3A : i32 to vector<2048x64xi32>
    %select_n3A = arith.select %eq3A_7, %iota3A, %broadcast_in_dim3A_8 : vector<2048x64xi1>, vector<2048x64xi32>
    %reduce_min3A = arith.constant dense<2147483647> : vector<2048xi32>
    %reduce_min3A_9 = vector.multi_reduction <minsi>, %select_n3A, %reduce_min3A [1] : vector<2048x64xi32> to vector<2048xi32>
    %broadcast_in_dim3A_10 = vector.shape_cast %reduce_min3A_9 : vector<2048xi32> to vector<2048x1xi32>
    %eq3A_11 = vector.broadcast %broadcast_in_dim3A_10 : vector<2048x1xi32> to vector<2048x64xi32>
    %eq3A_12 = arith.cmpi eq, %iota3A, %eq3A_11 : vector<2048x64xi32>
    %jit3A_13 = arith.constant -1.000000e+30 : f32
    %broadcast_in_dim3A_14 = vector.broadcast %jit3A_13 : f32 to vector<2048x64xf32>
    %select_n3A_15 = arith.select %eq3A_12, %broadcast_in_dim3A_14, %dot_general3A_5 : vector<2048x64xi1>, vector<2048x64xf32>
    %reduce_max3A_16 = arith.constant dense<0xFF800000> : vector<2048xf32>
    %reduce_max3A_17 = vector.multi_reduction <maximumf>, %select_n3A_15, %reduce_max3A_16 [1] : vector<2048x64xf32> to vector<2048xf32>
    %broadcast_in_dim3A_18 = vector.shape_cast %reduce_max3A_17 : vector<2048xf32> to vector<2048x1xf32>
    %eq3A_19 = vector.broadcast %broadcast_in_dim3A_18 : vector<2048x1xf32> to vector<2048x64xf32>
    %eq3A_20 = arith.cmpf oeq, %select_n3A_15, %eq3A_19 : vector<2048x64xf32>
    %jit3A_21 = arith.constant 64 : i32
    %broadcast_in_dim3A_22 = vector.broadcast %jit3A_21 : i32 to vector<2048x64xi32>
    %select_n3A_23 = arith.select %eq3A_20, %iota3A, %broadcast_in_dim3A_22 : vector<2048x64xi1>, vector<2048x64xi32>
    %reduce_min3A_24 = arith.constant dense<2147483647> : vector<2048xi32>
    %reduce_min3A_25 = vector.multi_reduction <minsi>, %select_n3A_23, %reduce_min3A_24 [1] : vector<2048x64xi32> to vector<2048xi32>
    %broadcast_in_dim3A_26 = vector.shape_cast %reduce_min3A_25 : vector<2048xi32> to vector<2048x1xi32>
    %eq3A_27 = vector.broadcast %broadcast_in_dim3A_26 : vector<2048x1xi32> to vector<2048x64xi32>
    %eq3A_28 = arith.cmpi eq, %iota3A, %eq3A_27 : vector<2048x64xi32>
    %sub3A = arith.subf %broadcast_in_dim3A, %broadcast_in_dim3A_18 : vector<2048x1xf32>
    %logistic3A = arith.negf %sub3A : vector<2048x1xf32>
    %logistic3A_29 = math.exp %logistic3A : vector<2048x1xf32>
    %logistic3A_30 = arith.constant 1.000000e+00 : f32
    %logistic3A_31 = vector.broadcast %logistic3A_30 : f32 to vector<2048x1xf32>
    %logistic3A_32 = arith.addf %logistic3A_31, %logistic3A_29 : vector<2048x1xf32>
    %logistic3A_33 = arith.divf %logistic3A_31, %logistic3A_32 : vector<2048x1xf32>
    %sub3A_34 = arith.subf %broadcast_in_dim3A_18, %broadcast_in_dim3A : vector<2048x1xf32>
    %logistic3A_35 = arith.negf %sub3A_34 : vector<2048x1xf32>
    %logistic3A_36 = math.exp %logistic3A_35 : vector<2048x1xf32>
    %logistic3A_37 = arith.constant 1.000000e+00 : f32
    %logistic3A_38 = vector.broadcast %logistic3A_37 : f32 to vector<2048x1xf32>
    %logistic3A_39 = arith.addf %logistic3A_38, %logistic3A_36 : vector<2048x1xf32>
    %logistic3A_40 = arith.divf %logistic3A_38, %logistic3A_39 : vector<2048x1xf32>
    %convert_element_type3A = arith.extui %eq3A_12 : vector<2048x64xi1> to vector<2048x64xi32>
    %convert_element_type3A_41 = arith.sitofp %convert_element_type3A : vector<2048x64xi32> to vector<2048x64xf32>
    %convert_element_type3A_42 = arith.extui %eq3A_28 : vector<2048x64xi1> to vector<2048x64xi32>
    %convert_element_type3A_43 = arith.sitofp %convert_element_type3A_42 : vector<2048x64xi32> to vector<2048x64xf32>
    %add3A = arith.addf %convert_element_type3A_41, %convert_element_type3A_43 : vector<2048x64xf32>
    %swap3A = arith.constant 0 : index
    %swap3A_44 = arith.constant 0 : index
    %swap3A_45 = vector.load %arg7[%swap3A, %swap3A_44] : memref<2048x64xf32, #tpu.memory_space<vmem>>, vector<2048x64xf32>
    tpu.vector_store %arg7[%swap3A, %swap3A_44], %add3A {strides = array<i32>} : memref<2048x64xf32, #tpu.memory_space<vmem>>, vector<2048x64xf32>,
    %iota3A_46 = tpu.iota {dimensions = array<i32: 0>} : vector<256x256xi32>
    %iota3A_47 = tpu.iota {dimensions = array<i32: 1>} : vector<256x256xi32>
    %gt3A = arith.cmpi sgt, %iota3A_46, %iota3A_47 : vector<256x256xi32>
    %convert_element_type3A_48 = arith.extui %gt3A : vector<256x256xi1> to vector<256x256xi32>
    %convert_element_type3A_49 = arith.sitofp %convert_element_type3A_48 : vector<256x256xi32> to vector<256x256xf32>
    %broadcast_in_dim3A_50 = arith.constant 0.000000e+00 : f32
    %broadcast_in_dim3A_51 = vector.broadcast %broadcast_in_dim3A_50 : f32 to vector<1x64xf32>
    %scan3A = arith.constant 0 : i32
    %scan3A_52 = arith.constant 8 : i32
    %scan3A_53 = arith.addi %scan3A, %scan3A_52 : i32
    %scan3A_54 = arith.constant 1 : i32
    %scan3A_55 = scf.for %scan3A_151 = %scan3A to %scan3A_53 step %scan3A_54 iter_args(%scan3A_152 = %broadcast_in_dim3A_51) -> (vector<1x64xf32>)  : i32 {
      %mul3A_153 = arith.constant 256 : i32
      %mul3A_154 = arith.muli %scan3A_151, %mul3A_153 : i32
      %get3A_155 = arith.index_cast %mul3A_154 : i32 to index
      %get3A_156 = arith.constant 0 : index
      %get3A_157 = vector.load %arg7[%get3A_155, %get3A_156] : memref<2048x64xf32, #tpu.memory_space<vmem>>, vector<256x64xf32>
      %dot_general3A_158 = arith.constant dense<0.000000e+00> : vector<256x64xf32>
      %dot_general3A_159 = tpu.matmul %convert_element_type3A_49, %get3A_157, %dot_general3A_158 {dimension_numbers = #tpu.dot_dimension_numbers<[1], [0], [0], [1], [0, 0, 1, 1], [], []>, transpose_lhs_hint = false} : vector<256x256xf32>, vector<256x64xf32>, vector<256x64xf32> -> vector<256x64xf32>
      %add3A_160 = vector.broadcast %scan3A_152 : vector<1x64xf32> to vector<256x64xf32>
      %add3A_161 = arith.addf %add3A_160, %dot_general3A_159 : vector<256x64xf32>
      %mul3A_162 = arith.constant 256 : i32
      %mul3A_163 = arith.muli %scan3A_151, %mul3A_162 : i32
      %swap3A_164 = arith.index_cast %mul3A_163 : i32 to index
      %swap3A_165 = arith.constant 0 : index
      %swap3A_166 = vector.load %arg8[%swap3A_164, %swap3A_165] : memref<2048x64xf32, #tpu.memory_space<vmem>>, vector<256x64xf32>
      tpu.vector_store %arg8[%swap3A_164, %swap3A_165], %add3A_161 {strides = array<i32>} : memref<2048x64xf32, #tpu.memory_space<vmem>>, vector<256x64xf32>,
      %reduce_sum3A_167 = arith.constant dense<0.000000e+00> : vector<64xf32>
      %reduce_sum3A_168 = vector.multi_reduction <add>, %get3A_157, %reduce_sum3A_167 [0] : vector<256x64xf32> to vector<64xf32>
      %broadcast_in_dim3A_169 = vector.shape_cast %reduce_sum3A_168 : vector<64xf32> to vector<1x64xf32>
      %add3A_170 = arith.addf %scan3A_152, %broadcast_in_dim3A_169 : vector<1x64xf32>
      scf.yield %add3A_170 : vector<1x64xf32>
    }
    %scan3A_56 = arith.constant 8 : i32
    %get3A_57 = arith.constant 0 : index
    %get3A_58 = arith.constant 0 : index
    %get3A_59 = vector.load %arg8[%get3A_57, %get3A_58] : memref<2048x64xf32, #tpu.memory_space<vmem>>, vector<2048x64xf32>
    %mul3A = arith.mulf %get3A_59, %convert_element_type3A_41 : vector<2048x64xf32>
    %reduce_sum3A = arith.constant dense<0.000000e+00> : vector<2048xf32>
    %reduce_sum3A_60 = vector.multi_reduction <add>, %mul3A, %reduce_sum3A [1] : vector<2048x64xf32> to vector<2048xf32>
    %broadcast_in_dim3A_61 = vector.shape_cast %reduce_sum3A_60 : vector<2048xf32> to vector<2048x1xf32>
    %mul3A_62 = arith.mulf %get3A_59, %convert_element_type3A_43 : vector<2048x64xf32>
    %reduce_sum3A_63 = arith.constant dense<0.000000e+00> : vector<2048xf32>
    %reduce_sum3A_64 = vector.multi_reduction <add>, %mul3A_62, %reduce_sum3A_63 [1] : vector<2048x64xf32> to vector<2048xf32>
    %broadcast_in_dim3A_65 = vector.shape_cast %reduce_sum3A_64 : vector<2048xf32> to vector<2048x1xf32>
    %iota3A_66 = tpu.iota {dimensions = array<i32: 1>} : vector<2048x128xi32>
    %convert_element_type3A_67 = arith.fptosi %broadcast_in_dim3A_61 : vector<2048x1xf32> to vector<2048x1xi32>
    %eq3A_68 = vector.broadcast %convert_element_type3A_67 : vector<2048x1xi32> to vector<2048x128xi32>
    %eq3A_69 = arith.cmpi eq, %iota3A_66, %eq3A_68 : vector<2048x128xi32>
    %convert_element_type3A_70 = arith.extui %eq3A_69 : vector<2048x128xi1> to vector<2048x128xi32>
    %convert_element_type3A_71 = arith.sitofp %convert_element_type3A_70 : vector<2048x128xi32> to vector<2048x128xf32>
    %convert_element_type3A_72 = arith.fptosi %broadcast_in_dim3A_65 : vector<2048x1xf32> to vector<2048x1xi32>
    %eq3A_73 = vector.broadcast %convert_element_type3A_72 : vector<2048x1xi32> to vector<2048x128xi32>
    %eq3A_74 = arith.cmpi eq, %iota3A_66, %eq3A_73 : vector<2048x128xi32>
    %convert_element_type3A_75 = arith.extui %eq3A_74 : vector<2048x128xi1> to vector<2048x128xi32>
    %convert_element_type3A_76 = arith.sitofp %convert_element_type3A_75 : vector<2048x128xi32> to vector<2048x128xf32>
    %iota3A_77 = tpu.iota {dimensions = array<i32: 0>} : vector<2048x1xi32>
    %convert_element_type3A_78 = arith.sitofp %iota3A_77 : vector<2048x1xi32> to vector<2048x1xf32>
    %add3A_79 = arith.constant 1.000000e+00 : f32
    %add3A_80 = vector.broadcast %add3A_79 : f32 to vector<2048x1xf32>
    %add3A_81 = arith.addf %convert_element_type3A_78, %add3A_80 : vector<2048x1xf32>
    %mul3A_82 = vector.broadcast %add3A_81 : vector<2048x1xf32> to vector<2048x64xf32>
    %mul3A_83 = arith.mulf %convert_element_type3A_41, %mul3A_82 : vector<2048x64xf32>
    %dot_general3A_84 = arith.constant dense<0.000000e+00> : vector<64x128xf32>
    %dot_general3A_85 = tpu.matmul %mul3A_83, %convert_element_type3A_71, %dot_general3A_84 {dimension_numbers = #tpu.dot_dimension_numbers<[0], [0], [1], [1], [0, 1, 1, 1], [], []>, precision = #tpu.contract_precision<fp32>, transpose_lhs_hint = false} : vector<2048x64xf32>, vector<2048x128xf32>, vector<64x128xf32> -> vector<64x128xf32>
    %add3A_86 = arith.constant 1.000000e+00 : f32
    %add3A_87 = vector.broadcast %add3A_86 : f32 to vector<2048x1xf32>
    %add3A_88 = arith.addf %convert_element_type3A_78, %add3A_87 : vector<2048x1xf32>
    %mul3A_89 = vector.broadcast %add3A_88 : vector<2048x1xf32> to vector<2048x64xf32>
    %mul3A_90 = arith.mulf %convert_element_type3A_43, %mul3A_89 : vector<2048x64xf32>
    %dot_general3A_91 = arith.constant dense<0.000000e+00> : vector<64x128xf32>
    %dot_general3A_92 = tpu.matmul %mul3A_90, %convert_element_type3A_76, %dot_general3A_91 {dimension_numbers = #tpu.dot_dimension_numbers<[0], [0], [1], [1], [0, 1, 1, 1], [], []>, precision = #tpu.contract_precision<fp32>, transpose_lhs_hint = false} : vector<2048x64xf32>, vector<2048x128xf32>, vector<64x128xf32> -> vector<64x128xf32>
    %add3A_93 = arith.addf %dot_general3A_85, %dot_general3A_92 : vector<64x128xf32>
    %iota3A_94 = tpu.iota {dimensions = array<i32: 0>} : vector<64x128xi32>
    %mul3A_95 = arith.constant 128 : i32
    %mul3A_96 = vector.broadcast %mul3A_95 : i32 to vector<64x128xi32>
    %mul3A_97 = arith.muli %iota3A_94, %mul3A_96 : vector<64x128xi32>
    %iota3A_98 = tpu.iota {dimensions = array<i32: 1>} : vector<64x128xi32>
    %add3A_99 = arith.addi %mul3A_97, %iota3A_98 : vector<64x128xi32>
    %and3A = arith.constant 2047 : i32
    %and3A_100 = vector.broadcast %and3A : i32 to vector<64x128xi32>
    %and3A_101 = arith.andi %add3A_99, %and3A_100 : vector<64x128xi32>
    %convert_element_type3A_102 = arith.fptosi %add3A_93 : vector<64x128xf32> to vector<64x128xi32>
    %eq3A_103 = arith.constant 0 : i32
    %eq3A_104 = vector.broadcast %eq3A_103 : i32 to vector<64x128xi32>
    %eq3A_105 = arith.cmpi eq, %convert_element_type3A_102, %eq3A_104 : vector<64x128xi32>
    %sub3A_106 = arith.constant 1 : i32
    %sub3A_107 = vector.broadcast %sub3A_106 : i32 to vector<64x128xi32>
    %sub3A_108 = arith.subi %convert_element_type3A_102, %sub3A_107 : vector<64x128xi32>
    %select_n3A_109 = arith.select %eq3A_105, %and3A_101, %sub3A_108 : vector<64x128xi1>, vector<64x128xi32>
    %swap3A_110 = arith.constant 0 : index
    %swap3A_111 = arith.constant 0 : index
    %swap3A_112 = vector.load %arg2[%swap3A_110, %swap3A_111] : memref<64x128xi32, #tpu.memory_space<vmem>>, vector<64x128xi32>
    tpu.vector_store %arg2[%swap3A_110, %swap3A_111], %select_n3A_109 {strides = array<i32>} : memref<64x128xi32, #tpu.memory_space<vmem>>, vector<64x128xi32>,
    %convert_element_type3A_113 = arith.fptosi %broadcast_in_dim3A_61 : vector<2048x1xf32> to vector<2048x1xi32>
    %convert_element_type3A_114 = arith.fptosi %broadcast_in_dim3A_65 : vector<2048x1xf32> to vector<2048x1xi32>
    %mul3A_115 = arith.constant 128 : i32
    %mul3A_116 = vector.broadcast %mul3A_115 : i32 to vector<2048x1xi32>
    %mul3A_117 = arith.muli %broadcast_in_dim3A_10, %mul3A_116 : vector<2048x1xi32>
    %min3A = arith.constant 127 : i32
    %min3A_118 = vector.broadcast %min3A : i32 to vector<2048x1xi32>
    %min3A_119 = arith.minsi %convert_element_type3A_113, %min3A_118 : vector<2048x1xi32>
    %add3A_120 = arith.addi %mul3A_117, %min3A_119 : vector<2048x1xi32>
    %swap3A_121 = arith.constant 0 : index
    %swap3A_122 = arith.constant 0 : index
    %swap3A_123 = vector.load %arg3[%swap3A_121, %swap3A_122] : memref<2048x1xi32, #tpu.memory_space<vmem>>, vector<2048x1xi32>
    tpu.vector_store %arg3[%swap3A_121, %swap3A_122], %add3A_120 {strides = array<i32>} : memref<2048x1xi32, #tpu.memory_space<vmem>>, vector<2048x1xi32>,
    %mul3A_124 = arith.constant 128 : i32
    %mul3A_125 = vector.broadcast %mul3A_124 : i32 to vector<2048x1xi32>
    %mul3A_126 = arith.muli %broadcast_in_dim3A_26, %mul3A_125 : vector<2048x1xi32>
    %min3A_127 = arith.constant 127 : i32
    %min3A_128 = vector.broadcast %min3A_127 : i32 to vector<2048x1xi32>
    %min3A_129 = arith.minsi %convert_element_type3A_114, %min3A_128 : vector<2048x1xi32>
    %add3A_130 = arith.addi %mul3A_126, %min3A_129 : vector<2048x1xi32>
    %swap3A_131 = arith.constant 0 : index
    %swap3A_132 = arith.constant 0 : index
    %swap3A_133 = vector.load %arg4[%swap3A_131, %swap3A_132] : memref<2048x1xi32, #tpu.memory_space<vmem>>, vector<2048x1xi32>
    tpu.vector_store %arg4[%swap3A_131, %swap3A_132], %add3A_130 {strides = array<i32>} : memref<2048x1xi32, #tpu.memory_space<vmem>>, vector<2048x1xi32>,
    %lt3A = arith.constant 128 : i32
    %lt3A_134 = vector.broadcast %lt3A : i32 to vector<2048x1xi32>
    %lt3A_135 = arith.cmpi slt, %convert_element_type3A_113, %lt3A_134 : vector<2048x1xi32>
    %jit3A_136 = arith.constant 0.000000e+00 : f32
    %broadcast_in_dim3A_137 = vector.broadcast %jit3A_136 : f32 to vector<2048x1xf32>
    %select_n3A_138 = arith.select %lt3A_135, %logistic3A_33, %broadcast_in_dim3A_137 : vector<2048x1xi1>, vector<2048x1xf32>
    %swap3A_139 = arith.constant 0 : index
    %swap3A_140 = arith.constant 0 : index
    %swap3A_141 = vector.load %arg5[%swap3A_139, %swap3A_140] : memref<2048x1xf32, #tpu.memory_space<vmem>>, vector<2048x1xf32>
    tpu.vector_store %arg5[%swap3A_139, %swap3A_140], %select_n3A_138 {strides = array<i32>} : memref<2048x1xf32, #tpu.memory_space<vmem>>, vector<2048x1xf32>,
    %lt3A_142 = arith.constant 128 : i32
    %lt3A_143 = vector.broadcast %lt3A_142 : i32 to vector<2048x1xi32>
    %lt3A_144 = arith.cmpi slt, %convert_element_type3A_114, %lt3A_143 : vector<2048x1xi32>
    %jit3A_145 = arith.constant 0.000000e+00 : f32
    %broadcast_in_dim3A_146 = vector.broadcast %jit3A_145 : f32 to vector<2048x1xf32>
    %select_n3A_147 = arith.select %lt3A_144, %logistic3A_40, %broadcast_in_dim3A_146 : vector<2048x1xi1>, vector<2048x1xf32>
    %swap3A_148 = arith.constant 0 : index
    %swap3A_149 = arith.constant 0 : index
    %swap3A_150 = vector.load %arg6[%swap3A_148, %swap3A_149] : memref<2048x1xf32, #tpu.memory_space<vmem>>, vector<2048x1xf32>
    tpu.vector_store %arg6[%swap3A_148, %swap3A_149], %select_n3A_147 {strides = array<i32>} : memref<2048x1xf32, #tpu.memory_space<vmem>>, vector<2048x1xf32>,
    return
  }
}

module attributes {stable_mosaic.version = 14 : i64} {
  func.func @_shared_body(%arg0: i32, %arg1: memref<256x768xbf16, #tpu.memory_space<vmem>>, %arg2: memref<2048x768xi8, #tpu.memory_space<vmem>>, %arg3: memref<2048x768xi8, #tpu.memory_space<vmem>>, %arg4: memref<768x2048xi8, #tpu.memory_space<vmem>>, %arg5: memref<1x1xf32, #tpu.memory_space<vmem>>, %arg6: memref<1x1xf32, #tpu.memory_space<vmem>>, %arg7: memref<1x1xf32, #tpu.memory_space<vmem>>, %arg8: memref<256x768xf32, #tpu.memory_space<vmem>>, %arg9: memref<2048x768xbf16, #tpu.memory_space<vmem>>, %arg10: memref<2048x768xbf16, #tpu.memory_space<vmem>>, %arg11: memref<768x2048xbf16, #tpu.memory_space<vmem>>) attributes {dimension_semantics = [#tpu.dimension_semantics<arbitrary>], iteration_bounds = array<i64: 8>, scalar_prefetch = 0 : i64, scratch_operands = 3 : i64, tpu.core_type = #tpu.core_type<tc>, window_params = [{transform_indices = @transform_0, window_bounds = array<i64: 256, 768>}, {pipeline_mode = #tpu.pipeline_mode<synchronous>, transform_indices = @transform_1, window_bounds = array<i64: 2048, 768>}, {pipeline_mode = #tpu.pipeline_mode<synchronous>, transform_indices = @transform_2, window_bounds = array<i64: 2048, 768>}, {pipeline_mode = #tpu.pipeline_mode<synchronous>, transform_indices = @transform_3, window_bounds = array<i64: 768, 2048>}, {pipeline_mode = #tpu.pipeline_mode<synchronous>, transform_indices = @transform_4, window_bounds = array<i64: 1, 1>}, {pipeline_mode = #tpu.pipeline_mode<synchronous>, transform_indices = @transform_5, window_bounds = array<i64: 1, 1>}, {pipeline_mode = #tpu.pipeline_mode<synchronous>, transform_indices = @transform_6, window_bounds = array<i64: 1, 1>}, {transform_indices = @transform_7, window_bounds = array<i64: 256, 768>}]} {
    %eq3A = arith.constant 0 : i32
    %eq3A_0 = arith.cmpi eq, %arg0, %eq3A : i32
    %convert_element_type3A = arith.extui %eq3A_0 : i1 to i32
    %cond3A = arith.constant 0 : i32
    %cond3A_1 = arith.cmpi ne, %convert_element_type3A, %cond3A : i32
    scf.if %cond3A_1 {
      %get3A_45 = arith.constant 0 : index
      %get3A_46 = arith.constant 0 : index
      %get3A_47 = vector.load %arg2[%get3A_45, %get3A_46] : memref<2048x768xi8, #tpu.memory_space<vmem>>, vector<2048x768xi8>
      %convert_element_type3A_48 = arith.sitofp %get3A_47 : vector<2048x768xi8> to vector<2048x768xbf16>
      %swap3A_49 = arith.constant 0 : index
      %swap3A_50 = arith.constant 0 : index
      %swap3A_51 = vector.load %arg9[%swap3A_49, %swap3A_50] : memref<2048x768xbf16, #tpu.memory_space<vmem>>, vector<2048x768xbf16>
      tpu.vector_store %arg9[%swap3A_49, %swap3A_50], %convert_element_type3A_48 {strides = array<i32>} : memref<2048x768xbf16, #tpu.memory_space<vmem>>, vector<2048x768xbf16>,
      %get3A_52 = arith.constant 0 : index
      %get3A_53 = arith.constant 0 : index
      %get3A_54 = vector.load %arg3[%get3A_52, %get3A_53] : memref<2048x768xi8, #tpu.memory_space<vmem>>, vector<2048x768xi8>
      %convert_element_type3A_55 = arith.sitofp %get3A_54 : vector<2048x768xi8> to vector<2048x768xbf16>
      %swap3A_56 = arith.constant 0 : index
      %swap3A_57 = arith.constant 0 : index
      %swap3A_58 = vector.load %arg10[%swap3A_56, %swap3A_57] : memref<2048x768xbf16, #tpu.memory_space<vmem>>, vector<2048x768xbf16>
      tpu.vector_store %arg10[%swap3A_56, %swap3A_57], %convert_element_type3A_55 {strides = array<i32>} : memref<2048x768xbf16, #tpu.memory_space<vmem>>, vector<2048x768xbf16>,
      %get3A_59 = arith.constant 0 : index
      %get3A_60 = arith.constant 0 : index
      %get3A_61 = vector.load %arg4[%get3A_59, %get3A_60] : memref<768x2048xi8, #tpu.memory_space<vmem>>, vector<768x2048xi8>
      %convert_element_type3A_62 = arith.sitofp %get3A_61 : vector<768x2048xi8> to vector<768x2048xbf16>
      %swap3A_63 = arith.constant 0 : index
      %swap3A_64 = arith.constant 0 : index
      %swap3A_65 = vector.load %arg11[%swap3A_63, %swap3A_64] : memref<768x2048xbf16, #tpu.memory_space<vmem>>, vector<768x2048xbf16>
      tpu.vector_store %arg11[%swap3A_63, %swap3A_64], %convert_element_type3A_62 {strides = array<i32>} : memref<768x2048xbf16, #tpu.memory_space<vmem>>, vector<768x2048xbf16>,
    } else {
    }
    %get3A = arith.constant 0 : index
    %get3A_2 = arith.constant 0 : index
    %get3A_3 = vector.load %arg1[%get3A, %get3A_2] : memref<256x768xbf16, #tpu.memory_space<vmem>>, vector<256x768xbf16>
    %get3A_4 = arith.constant 0 : index
    %get3A_5 = arith.constant 0 : index
    %get3A_6 = vector.load %arg9[%get3A_4, %get3A_5] : memref<2048x768xbf16, #tpu.memory_space<vmem>>, vector<2048x768xbf16>
    %dot_general3A = arith.constant dense<0.000000e+00> : vector<256x2048xf32>
    %dot_general3A_7 = tpu.matmul %get3A_3, %get3A_6, %dot_general3A {dimension_numbers = #tpu.dot_dimension_numbers<[1], [1], [0], [0], [0, 0, 1, 0], [], []>, transpose_lhs_hint = false} : vector<256x768xbf16>, vector<2048x768xbf16>, vector<256x2048xf32> -> vector<256x2048xf32>
    %get3A_8 = arith.constant 0 : index
    %get3A_9 = arith.constant 0 : index
    %get3A_10 = vector.load %arg5[%get3A_8, %get3A_9] : memref<1x1xf32, #tpu.memory_space<vmem>>, vector<1x1xf32>
    %get3A_11 = vector.extract %get3A_10[0, 0] : f32 from vector<1x1xf32>
    %mul3A = vector.broadcast %get3A_11 : f32 to vector<256x2048xf32>
    %mul3A_12 = arith.mulf %dot_general3A_7, %mul3A : vector<256x2048xf32>
    %get3A_13 = arith.constant 0 : index
    %get3A_14 = arith.constant 0 : index
    %get3A_15 = vector.load %arg10[%get3A_13, %get3A_14] : memref<2048x768xbf16, #tpu.memory_space<vmem>>, vector<2048x768xbf16>
    %dot_general3A_16 = arith.constant dense<0.000000e+00> : vector<256x2048xf32>
    %dot_general3A_17 = tpu.matmul %get3A_3, %get3A_15, %dot_general3A_16 {dimension_numbers = #tpu.dot_dimension_numbers<[1], [1], [0], [0], [0, 0, 1, 0], [], []>, transpose_lhs_hint = false} : vector<256x768xbf16>, vector<2048x768xbf16>, vector<256x2048xf32> -> vector<256x2048xf32>
    %get3A_18 = arith.constant 0 : index
    %get3A_19 = arith.constant 0 : index
    %get3A_20 = vector.load %arg6[%get3A_18, %get3A_19] : memref<1x1xf32, #tpu.memory_space<vmem>>, vector<1x1xf32>
    %get3A_21 = vector.extract %get3A_20[0, 0] : f32 from vector<1x1xf32>
    %mul3A_22 = vector.broadcast %get3A_21 : f32 to vector<256x2048xf32>
    %mul3A_23 = arith.mulf %dot_general3A_17, %mul3A_22 : vector<256x2048xf32>
    %logistic3A = arith.negf %mul3A_12 : vector<256x2048xf32>
    %logistic3A_24 = math.exp %logistic3A : vector<256x2048xf32>
    %logistic3A_25 = arith.constant 1.000000e+00 : f32
    %logistic3A_26 = vector.broadcast %logistic3A_25 : f32 to vector<256x2048xf32>
    %logistic3A_27 = arith.addf %logistic3A_26, %logistic3A_24 : vector<256x2048xf32>
    %logistic3A_28 = arith.divf %logistic3A_26, %logistic3A_27 : vector<256x2048xf32>
    %mul3A_29 = arith.mulf %mul3A_12, %logistic3A_28 : vector<256x2048xf32>
    %mul3A_30 = arith.mulf %mul3A_29, %mul3A_23 : vector<256x2048xf32>
    %convert_element_type3A_31 = arith.truncf %mul3A_30 : vector<256x2048xf32> to vector<256x2048xbf16>
    %get3A_32 = arith.constant 0 : index
    %get3A_33 = arith.constant 0 : index
    %get3A_34 = vector.load %arg11[%get3A_32, %get3A_33] : memref<768x2048xbf16, #tpu.memory_space<vmem>>, vector<768x2048xbf16>
    %dot_general3A_35 = arith.constant dense<0.000000e+00> : vector<256x768xf32>
    %dot_general3A_36 = tpu.matmul %convert_element_type3A_31, %get3A_34, %dot_general3A_35 {dimension_numbers = #tpu.dot_dimension_numbers<[1], [1], [0], [0], [0, 0, 1, 0], [], []>, transpose_lhs_hint = false} : vector<256x2048xbf16>, vector<768x2048xbf16>, vector<256x768xf32> -> vector<256x768xf32>
    %get3A_37 = arith.constant 0 : index
    %get3A_38 = arith.constant 0 : index
    %get3A_39 = vector.load %arg7[%get3A_37, %get3A_38] : memref<1x1xf32, #tpu.memory_space<vmem>>, vector<1x1xf32>
    %get3A_40 = vector.extract %get3A_39[0, 0] : f32 from vector<1x1xf32>
    %mul3A_41 = vector.broadcast %get3A_40 : f32 to vector<256x768xf32>
    %mul3A_42 = arith.mulf %dot_general3A_36, %mul3A_41 : vector<256x768xf32>
    %swap3A = arith.constant 0 : index
    %swap3A_43 = arith.constant 0 : index
    %swap3A_44 = vector.load %arg8[%swap3A, %swap3A_43] : memref<256x768xf32, #tpu.memory_space<vmem>>, vector<256x768xf32>
    tpu.vector_store %arg8[%swap3A, %swap3A_43], %mul3A_42 {strides = array<i32>} : memref<256x768xf32, #tpu.memory_space<vmem>>, vector<256x768xf32>,
    return
  }
  func.func @transform_0(%arg0: i32) -> (i32, i32) {
    %c0_i32 = arith.constant 0 : i32
    %c0_i32_0 = arith.constant 0 : i32
    return %arg0, %c0_i32 : i32, i32
  }
  func.func @transform_1(%arg0: i32) -> (i32, i32) {
    %c0_i32 = arith.constant 0 : i32
    %c0_i32_0 = arith.constant 0 : i32
    %c0_i32_1 = arith.constant 0 : i32
    return %c0_i32, %c0_i32_0 : i32, i32
  }
  func.func @transform_2(%arg0: i32) -> (i32, i32) {
    %c0_i32 = arith.constant 0 : i32
    %c0_i32_0 = arith.constant 0 : i32
    %c0_i32_1 = arith.constant 0 : i32
    return %c0_i32, %c0_i32_0 : i32, i32
  }
  func.func @transform_3(%arg0: i32) -> (i32, i32) {
    %c0_i32 = arith.constant 0 : i32
    %c0_i32_0 = arith.constant 0 : i32
    %c0_i32_1 = arith.constant 0 : i32
    return %c0_i32, %c0_i32_0 : i32, i32
  }
  func.func @transform_4(%arg0: i32) -> (i32, i32) {
    %c0_i32 = arith.constant 0 : i32
    %c0_i32_0 = arith.constant 0 : i32
    %c0_i32_1 = arith.constant 0 : i32
    return %c0_i32, %c0_i32_0 : i32, i32
  }
  func.func @transform_5(%arg0: i32) -> (i32, i32) {
    %c0_i32 = arith.constant 0 : i32
    %c0_i32_0 = arith.constant 0 : i32
    %c0_i32_1 = arith.constant 0 : i32
    return %c0_i32, %c0_i32_0 : i32, i32
  }
  func.func @transform_6(%arg0: i32) -> (i32, i32) {
    %c0_i32 = arith.constant 0 : i32
    %c0_i32_0 = arith.constant 0 : i32
    %c0_i32_1 = arith.constant 0 : i32
    return %c0_i32, %c0_i32_0 : i32, i32
  }
  func.func @transform_7(%arg0: i32) -> (i32, i32) {
    %c0_i32 = arith.constant 0 : i32
    %c0_i32_0 = arith.constant 0 : i32
    return %arg0, %c0_i32 : i32, i32
  }
}

module attributes {stable_mosaic.version = 14 : i64} {
  func.func @_final_body(%arg0: i32, %arg1: memref<256x768xf32, #tpu.memory_space<vmem>>, %arg2: memref<256x768xf32, #tpu.memory_space<vmem>>, %arg3: memref<256x768xf32, #tpu.memory_space<vmem>>, %arg4: memref<256x1xf32, #tpu.memory_space<vmem>>, %arg5: memref<256x1xf32, #tpu.memory_space<vmem>>, %arg6: memref<256x768xf32, #tpu.memory_space<vmem>>) attributes {dimension_semantics = [#tpu.dimension_semantics<arbitrary>], iteration_bounds = array<i64: 8>, scalar_prefetch = 0 : i64, scratch_operands = 0 : i64, tpu.core_type = #tpu.core_type<tc>, window_params = [{transform_indices = @transform_0, window_bounds = array<i64: 256, 768>}, {transform_indices = @transform_1, window_bounds = array<i64: 256, 768>}, {transform_indices = @transform_2, window_bounds = array<i64: 256, 768>}, {transform_indices = @transform_3, window_bounds = array<i64: 256, 1>}, {transform_indices = @transform_4, window_bounds = array<i64: 256, 1>}, {transform_indices = @transform_5, window_bounds = array<i64: 256, 768>}]} {
    %get3A = arith.constant 0 : index
    %get3A_0 = arith.constant 0 : index
    %get3A_1 = vector.load %arg1[%get3A, %get3A_0] : memref<256x768xf32, #tpu.memory_space<vmem>>, vector<256x768xf32>
    %get3A_2 = arith.constant 0 : index
    %get3A_3 = arith.constant 0 : index
    %get3A_4 = vector.load %arg4[%get3A_2, %get3A_3] : memref<256x1xf32, #tpu.memory_space<vmem>>, vector<256x1xf32>
    %get3A_5 = arith.constant 0 : index
    %get3A_6 = arith.constant 0 : index
    %get3A_7 = vector.load %arg2[%get3A_5, %get3A_6] : memref<256x768xf32, #tpu.memory_space<vmem>>, vector<256x768xf32>
    %mul3A = vector.broadcast %get3A_4 : vector<256x1xf32> to vector<256x768xf32>
    %mul3A_8 = arith.mulf %mul3A, %get3A_7 : vector<256x768xf32>
    %add3A = arith.addf %get3A_1, %mul3A_8 : vector<256x768xf32>
    %get3A_9 = arith.constant 0 : index
    %get3A_10 = arith.constant 0 : index
    %get3A_11 = vector.load %arg5[%get3A_9, %get3A_10] : memref<256x1xf32, #tpu.memory_space<vmem>>, vector<256x1xf32>
    %get3A_12 = arith.constant 0 : index
    %get3A_13 = arith.constant 0 : index
    %get3A_14 = vector.load %arg3[%get3A_12, %get3A_13] : memref<256x768xf32, #tpu.memory_space<vmem>>, vector<256x768xf32>
    %mul3A_15 = vector.broadcast %get3A_11 : vector<256x1xf32> to vector<256x768xf32>
    %mul3A_16 = arith.mulf %mul3A_15, %get3A_14 : vector<256x768xf32>
    %add3A_17 = arith.addf %add3A, %mul3A_16 : vector<256x768xf32>
    %swap3A = arith.constant 0 : index
    %swap3A_18 = arith.constant 0 : index
    %swap3A_19 = vector.load %arg6[%swap3A, %swap3A_18] : memref<256x768xf32, #tpu.memory_space<vmem>>, vector<256x768xf32>
    tpu.vector_store %arg6[%swap3A, %swap3A_18], %add3A_17 {strides = array<i32>} : memref<256x768xf32, #tpu.memory_space<vmem>>, vector<256x768xf32>,
    return
  }
  func.func @transform_0(%arg0: i32) -> (i32, i32) {
    %c0_i32 = arith.constant 0 : i32
    %c0_i32_0 = arith.constant 0 : i32
    return %arg0, %c0_i32 : i32, i32
  }
  func.func @transform_1(%arg0: i32) -> (i32, i32) {
    %c0_i32 = arith.constant 0 : i32
    %c0_i32_0 = arith.constant 0 : i32
    return %arg0, %c0_i32 : i32, i32
  }
  func.func @transform_2(%arg0: i32) -> (i32, i32) {
    %add3A = arith.constant 8 : i32
    %add3A_0 = arith.addi %arg0, %add3A : i32
    %c0_i32 = arith.constant 0 : i32
    %c0_i32_1 = arith.constant 0 : i32
    return %add3A_0, %c0_i32 : i32, i32
  }
  func.func @transform_3(%arg0: i32) -> (i32, i32) {
    %c0_i32 = arith.constant 0 : i32
    %c0_i32_0 = arith.constant 0 : i32
    return %arg0, %c0_i32 : i32, i32
  }
  func.func @transform_4(%arg0: i32) -> (i32, i32) {
    %c0_i32 = arith.constant 0 : i32
    %c0_i32_0 = arith.constant 0 : i32
    return %arg0, %c0_i32 : i32, i32
  }
  func.func @transform_5(%arg0: i32) -> (i32, i32) {
    %c0_i32 = arith.constant 0 : i32
    %c0_i32_0 = arith.constant 0 : i32
    return %arg0, %c0_i32 : i32, i32
  }
}

</mosaic_0001>

<sc_bundles>
// kernel: kernel.11.cloned.1.call-start
scs
__scs_entry_jumppad:
0x0: {  	(pc) =	sbr.rel $0x88, $3  }
0x1: {  	(tag) =	ssettag $0x0;
	lr =	simm.s32 $0x1  }
0x2: {  	[smem:$0x3F93] =	sst lr;
	_ =	strace $0xD0000000  }
0x3: {  	_ = 	snop  }
0x4: {  	_ = 	snop  }
0x5: {  	_ = 	snop  }
0x6: {  	_ = 	snop  }
0x7: {  	_ = 	snop  }
__scs_overlays_trampoline_lowered:
0x8: {  	[smem:$0x3FA2] =	sst s0  }
0x9: {  	[smem:$0x3FA3] =	sst s1  }
0xa: {  	[smem:$0x3FA4] =	sst s2  }
0xb: {  	[smem:$0x3FA5] =	sst s3  }
0xc: {  	[smem:$0x3FA6] =	sst s4  }
0xd: {  	[smem:$0x3FA7] =	sst s5  }
0xe: {  	[smem:$0x3FA8] =	sst s6  }
0xf: {  	[smem:$0x3FA9] =	sst s7  }
0x10: {  	[smem:$0x3FAA] =	sst s8  }
0x11: {  	[smem:$0x3FAB] =	sst s9;
	s0 =	simm.s32 @!p0 $0x0  }
0x12: {  	s1 =	sld [smem:$0x3F91];
	s0 =	simm.s32 @p0 $0x1  }
0x13: {  	[smem:$0x3FAC] =	sst s0;
	s0 =	simm.s32 @!p1 $0x0  }
0x14: {  	s2 =	sld [smem:$0x3F90];
	s0 =	simm.s32 @p1 $0x1  }
0x15: {  	[smem:$0x3FAD] =	sst s0;
	s0 =	simm.s32 @!p2 $0x0  }
0x16: {  	s3 =	sld [smem:$0x3FDB];
	s0 =	simm.s32 @p2 $0x1  }
0x17: {  	s4 =	simm.s32 $0x1BF5;
	[smem:$0x3FAF] =	sst s0  }
0x18: {  	s0 =	sld [smem:$0x3F92];
	_ =	swait.ge [sflag:s4], $0x0  }
0x19: {  	s7 =	sld [smem:$0x3F93]  }
0x1a: {  	s8 =	sadd.s32 $0xFFFFE003, lr  }
0x1b: {  	s9 =	sadd.s32 $0xFFFFFEF7, lr;
	s5 =	simm.s32 $0xFFFFFFFF;
	p2 =	slt.u32 s8, $0xFFFFF086  }
0x1c: {  	p1 =	slt.u32 s9, $0xF7A;
	s5 =	simm.s32 @!p2 $0x0  }
0x1d: {  	s5 =	simm.s32 @p1 $0x1;
	p0 =	seq.s32 s7, s2  }
0x1e: {  	s7 =	smul.u32 @!p0 $0xF7A, s2;
	p2 =	seq.s32 @!p0 s5, $0x0  }
0x1f: {  	s9 =	smul.u32 $0xF7A, s1;
	s8 =	simm.s32 @!p0 $0x1BF5;
	p2 =	por !p2, p0  }
0x20: {  	[sflag:s8] =	ssyncset.s32 @!p0 $0xFFFFF086;
	s6 =	sadd.s32 @!p0 s3, s7;
	s7 =	simm.s32 @!p0 $0x108  }
0x21: {  	s3 =	sadd.s32 s3, s9;
	s6 =	sadd.s32 @!p0 $0x88, s6;
	s7 =	simm.s32 @p2 $0x1082  }
0x22: {  	[simem:s7], [sflag:s8] =	dma.local @!p0 [hbm:s6], $0xF7A  }
0x23: {  	s9 =	sor.u32 $0xD0000000, s2;
	s6 =	simm.s32 $0x108;
	_ =	swait.ge @!p0 [sflag:s8], $0x0  }
0x24: {  	s3 =	sadd.s32 $0x88, s3;
	s6 =	simm.s32 @!p1 $0x1082;
	[sflag:s4] =	ssyncset.s32 $0xFFFFF086  }
0x25: {  	[simem:s6], [sflag:s4] =	dma.local [hbm:s3], $0xF7A  }
0x26: {  	[smem:$0x3F93] =	sst s1;
	(tag) =	ssettag s2;
	_ =	strace s9  }
0x27: {  	s1 =	sld [smem:$0x3FA3]  }
0x28: {  	s2 =	sld [smem:$0x3FA4]  }
0x29: {  	s4 =	sld [smem:$0x3FA6]  }
0x2a: {  	p0 =	seq.s32 s5, $0x0;
	s5 =	sld [smem:$0x3FA7]  }
0x2b: {  	s6 =	sld [smem:$0x3FA8]  }
0x2c: {  	s7 =	sld [smem:$0x3FA9]  }
0x2d: {  	s3 =	simm.s32 $0x108;
	s8 =	sld [smem:$0x3FAA]  }
0x2e: {  	s3 =	simm.s32 @!p0 $0x1082;
	s9 =	sld [smem:$0x3FAB]  }
0x2f: {  	lr =	sadd.s32 s0, s3;
	s0 =	sld [smem:$0x3FA2]  }
0x30: {  	s3 =	sld [smem:$0x3FA5]  }
0x31: {  	[smem:$0x3FAE] =	sst s10  }
0x32: {  	s10 =	sld [smem:$0x3FAC];
	_ =	sdelay $0x3  }
0x33: {  	p0 =	seq.s32 s10, $0x1;
	s10 =	sld [smem:$0x3FAE];
	_ =	sdelay $0x3  }
0x34: {  	[smem:$0x3FAE] =	sst s10  }
0x35: {  	s10 =	sld [smem:$0x3FAD];
	_ =	sdelay $0x3  }
0x36: {  	p1 =	seq.s32 s10, $0x1;
	s10 =	sld [smem:$0x3FAE];
	_ =	sdelay $0x3  }
0x37: {  	[smem:$0x3FAE] =	sst s10  }
0x38: {  	s10 =	sld [smem:$0x3FAF]  }
0x39: {  	_ = 	snop;
	(pc) =	sbr.ind lr, $3  }
0x3a: {  	_ = 	snop  }
0x3b: {  	_ = 	snop  }
0x3c: {  	p2 =	seq.s32 s10, $0x1;
	s10 =	sld [smem:$0x3FAE]  }
0x3d: {  	_ =	shalt  }
0x3e: {  	_ =	shalt  }
0x3f: {  	_ =	shalt  }
0x40: {  	_ =	shalt  }
0x41: {  	_ =	shalt  }
0x42: {  	_ =	shalt  }
0x43: {  	_ =	shalt  }
0x44: {  	_ =	shalt  }
0x45: {  	_ =	shalt  }
0x46: {  	_ =	shalt  }
0x47: {  	_ =	shalt  }
0x48: {  	_ =	shalt  }
0x49: {  	_ =	shalt  }
0x4a: {  	_ =	shalt  }
0x4b: {  	_ =	shalt  }
0x4c: {  	_ =	shalt  }
0x4d: {  	_ =	shalt  }
0x4e: {  	_ =	shalt  }
0x4f: {  	_ =	shalt  }
0x50: {  	_ =	shalt  }
0x51: {  	_ =	shalt  }
0x52: {  	_ =	shalt  }
0x53: {  	_ =	shalt  }
0x54: {  	_ =	shalt  }
0x55: {  	_ =	shalt  }
0x56: {  	_ =	shalt  }
0x57: {  	_ =	shalt  }
0x58: {  	_ =	shalt  }
0x59: {  	_ =	shalt  }
0x5a: {  	_ =	shalt  }
0x5b: {  	_ =	shalt  }
0x5c: {  	_ =	shalt  }
0x5d: {  	_ =	shalt  }
0x5e: {  	_ =	shalt  }
0x5f: {  	_ =	shalt  }
0x60: {  	_ =	shalt  }
0x61: {  	_ =	shalt  }
0x62: {  	_ =	shalt  }
0x63: {  	_ =	shalt  }
0x64: {  	_ =	shalt  }
0x65: {  	_ =	shalt  }
0x66: {  	_ =	shalt  }
0x67: {  	_ =	shalt  }
0x68: {  	_ =	shalt  }
0x69: {  	_ =	shalt  }
0x6a: {  	_ =	shalt  }
0x6b: {  	_ =	shalt  }
0x6c: {  	_ =	shalt  }
0x6d: {  	_ =	shalt  }
0x6e: {  	_ =	shalt  }
0x6f: {  	_ =	shalt  }
0x70: {  	_ =	shalt  }
0x71: {  	_ =	shalt  }
0x72: {  	_ =	shalt  }
0x73: {  	_ =	shalt  }
0x74: {  	_ =	shalt  }
0x75: {  	_ =	shalt  }
0x76: {  	_ =	shalt  }
0x77: {  	_ =	shalt  }
0x78: {  	_ =	shalt  }
0x79: {  	_ =	shalt  }
0x7a: {  	_ =	shalt  }
0x7b: {  	_ =	shalt  }
0x7c: {  	_ =	shalt  }
0x7d: {  	_ =	shalt  }
0x7e: {  	_ =	shalt  }
0x7f: {  	_ =	shalt  }
0x80: {  	_ =	shalt  }
0x81: {  	_ =	shalt  }
0x82: {  	_ =	shalt  }
0x83: {  	_ =	shalt  }
0x84: {  	_ =	shalt  }
0x85: {  	_ =	shalt  }
0x86: {  	_ =	shalt  }
0x87: {  	_ =	shalt  }
.Lfunc_end0:
.L_simem_size_0:
called_computation.1_lowered:
.L_overlay_start_0:
0x88: {  	s2 =	sld [smem:$0x3FD9]  }
0x89: {  	s3 =	sld [smem:$0x3FFE];
	_ =	sdelay $0x1  }
0x8a: {  	s1 =	srdreg.scid  }
0x8b: {  	s0 =	sand.u32 $0x1, s1  }
0x8c: {  	s16 =	sshll.u32 s0, $0xA;
	s2 =	sadd.s32 s3, s2  }
0x8d: {  	s2 =	sadd.s32 s2, s16  }
0x8e: {  	[smem:$0x3FBA] =	sst s2  }
0x8f: {  	_ = 	snop  }
0x90: {  	(tm) =	ssettm $0x1  }
0x91: {  	s17 =	sld [smem:$0x3FFB];
	_ =	sdelay $0x3  }
0x92: {  	_ =	strace s17  }
0x93: {  	s2 =	sld [smem:$0x3FFC];
	_ =	sdelay $0x3  }
0x94: {  	_ =	strace s2  }
0x95: {  	s2 =	sld [smem:$0x3FFD];
	_ =	sdelay $0x3  }
0x96: {  	_ =	strace s2  }
0x97: {  	_ =	strace $0x8FFFFFFF  }
0x98: {  	s18 =	sld [smem:$0x3FDB];
	_ =	sdelay $0x1  }
0x99: {  	s19 =	simm.s32 $_scs_section_size  }
0x9a: {  	s4 =	simm.s32 $_size__tile_overlayer_lowered;
	s5 =	simm.s32 $_tile_overlayer_lowered  }
0x9b: {  	s22 =	simm.s32 $0x1BFF;
	s21 =	sshll.u32 s5, $0x1;
	s2 =	sadd.s32 s19, s18  }
0x9c: {  	s6 =	simm.s32 $0x0;
	s20 =	sshll.u32 s4, $0x1;
	s4 =	sadd.s32 s21, s2  }
0x9d: {  	[timem:s6], [sflag:s22] =	dma.local [hbm:s4], s20  }
0x9e: {  	_ =	swait.ge [sflag:s22], s20  }
0x9f: {  	s3 =	ssub.s32 $0x0, s20;
	[sflag:s22] =	ssyncset.done $0x0  }
0xa0: {  	[sflag:s22] =	ssyncadd.s32 s3;
	_ =	sdelay $0x1  }
0xa1: {  	s23 =	simm.s32 $0x1B8B  }
0xa2: {  	_ =	swait.ge [sflag:s23], $0x1  }
0xa3: {  	[sflag:s23] =	ssyncset.done $0x0  }
0xa4: {  	s25 =	simm.s32 $0x1B8E;
	s24 =	sld [smem:$0x3FFE];
	[sflag:s23] =	ssyncadd.s32 $0xFFFFFFFF  }
0xa5: {  	s26 =	simm.s32 $execute0_lowered;
	[smem:$0x3FD2] =	sst s25  }
0xa6: {  	s4 =	sshll.u32 s26, $0x1;
	_ =	strace $0x80000049;
	[dreg:$0x1] =	wrdreg $0xFFFFFFFF  }
0xa7: {  	s28 =	simm.s32 $_size_execute0_lowered;
	s2 =	sadd.s32 s2, s4;
	[dreg:$0x0] =	wrdreg $0x0  }
0xa8: {  	s4 =	sshll.u32 s28, $0x1;
	[dreg:$0x2] =	wrdreg s2  }
0xa9: {  	[dreg:$0x3] =	wrdreg s4  }
0xaa: {  	[dreg:$0x4] =	wrdreg $0xC0  }
0xab: {  	_ =	task [dreg:s6], $0x5FFFF  }
0xac: {  	[dreg:$0x1] =	wrdreg $0xFFFFFFFF  }
0xad: {  	[dreg:$0x0] =	wrdreg $0x60  }
0xae: {  	[dreg:$0x2] =	wrdreg s24  }
0xaf: {  	[dreg:$0x3] =	wrdreg $0x9  }
0xb0: {  	_ =	task.clear_ibuf [dreg:s6], $0x4FFFF;
	_ =	strace $0x90000049  }
0xb1: {  	s29 =	simm.s32 $0x9;
	_ =	strace $0x8000004B  }
0xb2: {  	_ =	swait.ge [sflag:s29], $0x1  }
0xb3: {  	[sflag:s29] =	ssyncadd.s32 $0xFFFFFFFF  }
0xb4: {  	_ =	strace $0x9000004B  }
0xb5: {  	_ =	sfence  }
0xb6: {  	s30 =	sld [smem:$0x0];
	_ =	sdelay $0x2  }
0xb7: {  	s31 =	sshll.u32 s1, $0xD;
	s1 =	sshrl.u32 s1, $0x2  }
0xb8: {  	s3 =	sand.u32 $0x4000, s31;
	s1 =	sadd.s32 s1, s30  }
0xb9: {  	s0 =	sor.u32 s3, s0;
	s1 =	sshll.u32 s1, $0x11  }
0xba: {  	s0 =	sor.u32 s1, s0  }
0xbb: {  	s0 =	sadd.s32 $0x8F2B, s0  }
0xbc: {  	[sflag:s0] =	ssyncadd.remote.s32 $0x1  }
0xbd: {  	_ =	sfence.sel $0xFFFF  }
0xbe: {  	[dreg:$0x0] =	wrdreg $0xFFFFFFFF;
	(pc) =	sbr.abs _section_cstart, $3  }
0xbf: {  	[dreg:$0x1] =	wrdreg $0xFFFFFFFF  }
0xc0: {  	_ =	task.clear_ibuf [dreg:s6], $0x2FFFF;
	_ =	strace $0x9FFFFFFF  }
0xc1: {  	(tm) =	ssettm $0x7FFFFFFF  }
tec
execute0_lowered:
.L_overlay_start_1:
0x0: {  	(tag) =	ssettag $0x1  }
0x1: {  	s1 =	srdreg.scid  }
0x2: {  	s0 =	stileid.u32;
	s1 =	sand.u32 $0x1, s1  }
0x3: {  	s2 =	sshll.u32 s0, $0x5;
	s3 =	sshll.u32 s1, $0x4  }
0x4: {  	s5 =	rddreg [dreg:$0x0];
	s3 =	sor.u32 s3, s2;
	s2 =	simm.s32 $0x0  }
0x5: {  	s26 =	simm.s32 $0x880;
	[smem:$0x7FF] =	sst s2  }
0x6: {  	s0 =	simm.s32 $0x1080;
	_ =	strace $0x8000004A;
	[dreg:$0x4] =	wrdreg s26  }
0x7: {  	s6 =	simm.s32 $0x2080;
	[dreg:$0x5] =	wrdreg s0  }
0x8: {  	s7 =	simm.s32 $0x2880;
	[dreg:$0x7] =	wrdreg s6  }
0x9: {  	s8 =	simm.s32 $0x3080;
	[dreg:$0x8] =	wrdreg s7  }
0xa: {  	s9 =	simm.s32 $0x3880;
	[dreg:$0x9] =	wrdreg s8  }
0xb: {  	s10 =	simm.s32 $0x4080;
	[dreg:$0xa] =	wrdreg s9  }
0xc: {  	s11 =	simm.s32 $0x4880;
	[dreg:$0xb] =	wrdreg s10  }
0xd: {  	s12 =	simm.s32 $0x5080;
	[dreg:$0xc] =	wrdreg s11  }
0xe: {  	s13 =	simm.s32 $0x5880;
	[dreg:$0xd] =	wrdreg s12  }
0xf: {  	s14 =	simm.s32 $0x6080;
	[dreg:$0xe] =	wrdreg s13  }
0x10: {  	s15 =	simm.s32 $0x6880;
	[dreg:$0xf] =	wrdreg s14  }
0x11: {  	s16 =	simm.s32 $0x7080;
	[dreg:$0x10] =	wrdreg s15  }
0x12: {  	s17 =	simm.s32 $0x7880;
	s18 =	simm.s32 $0x8080;
	[dreg:$0x11] =	wrdreg s16  }
0x13: {  	s19 =	simm.s32 $0x8880;
	s20 =	simm.s32 $0x9080;
	[dreg:$0x12] =	wrdreg s17  }
0x14: {  	s21 =	simm.s32 $0x9880;
	s22 =	simm.s32 $0xA080;
	[dreg:$0x13] =	wrdreg s18  }
0x15: {  	s23 =	simm.s32 $0xA880;
	s24 =	simm.s32 $0xB880;
	[dreg:$0x14] =	wrdreg s19  }
0x16: {  	s28 =	simm.s32 $0x16080;
	s29 =	simm.s32 $0x16880;
	[dreg:$0x15] =	wrdreg s20  }
0x17: {  	s30 =	simm.s32 $0x17080;
	s31 =	simm.s32 $0x17880;
	[dreg:$0x16] =	wrdreg s21  }
0x18: {  	s4 =	smul.u32 $0x300, s3;
	s3 =	sadd.s32 s3, s5;
	[dreg:$0x17] =	wrdreg s22  }
0x19: {  	s1 =	ssub.s32 $0x2, s1;
	s3 =	sadd.s32 $0xCA200, s3;
	[dreg:$0x18] =	wrdreg s23  }
0x1a: {  	s6 =	sshrl.u32 s1, $0x1;
	s7 =	simm.s32 $0xB080;
	[dreg:$0x1a] =	wrdreg s24  }
0x1b: {  	s8 =	simm.s32 $0x80;
	s26 =	simm.s32 $0xC880;
	s10 =	simm.s32 $0xD880  }
0x1c: {  	s11 =	simm.s32 $0xE080;
	s12 =	simm.s32 $0xE880;
	s13 =	simm.s32 $0xF080  }
0x1d: {  	s14 =	simm.s32 $0xF880;
	s15 =	simm.s32 $0x10080;
	s16 =	simm.s32 $0x10880  }
0x1e: {  	s17 =	simm.s32 $0x11080;
	s18 =	simm.s32 $0x11880;
	s19 =	simm.s32 $0x12080  }
0x1f: {  	s20 =	simm.s32 $0x12880;
	s21 =	simm.s32 $0x13080;
	s22 =	simm.s32 $0x13880  }
0x20: {  	s23 =	simm.s32 $0x14080;
	s24 =	simm.s32 $0x14880;
	[dreg:$0x2] =	wrdreg s3  }
0x21: {  	s4 =	sadd.s32 s4, s5;
	s3 =	sadd.s32 $0xCA400, s5;
	[dreg:$0x19] =	wrdreg s7  }
0x22: {  	s1 =	ssub.s32 s1, s6;
	s7 =	simm.s32 $0x2;
	[dreg:$0x1c] =	wrdreg s26  }
0x23: {  	s26 =	simm.s32 $0x15880;
	s25 =	sadd.s32 $0xA200, s4;
	s4 =	simm.s32 $0x1880  }
0x24: {  	v2 =	vlaneseq.u32;
	s6 =	smax.u32 s1, $0x1;
	s1 =	simm.s32 $0x1;
	[dreg:$0x3] =	wrdreg s25  }
0x25: {  	vm0 =	vmmov $0xffff;
	v1 =	vshrl.u32 v2, $0x3;
	[dreg:$0x6] =	wrdreg s4;
	s4 =	sadd.s32 $0xCA500, s5;
	s25 =	simm.s32 $0xC080  }
0x26: {  	v0 =	vand.u32 $0x7, v2;
	v2 =	vor.u32 $0x8, v2;
	v1 =	vmul.u32 $0x8, v1;
	s5 =	sadd.s32 $0xCA600, s5;
	[dreg:$0x1b] =	wrdreg s25;
	s25 =	simm.s32 $0x15080  }
.LBB2_1:
0x27: {  	s0 =	rddreg [dreg:$0x2]  }
0x28: {  	[tilespmem:s2], [sflag:$0x2] =	stream.linear.gather [hbm4b:s0+s2], $0x80, $0x38;
	[tilespmem:$0x18080] =	vst v63  }
0x29: {  	_ =	swait.ge [sflag:s7], $0x80  }
0x2a: {  	[sflag:s7] =	ssyncset.done $0x0  }
0x2b: {  	[sflag:s7] =	ssyncadd.s32 $0xFFFFFF80  }
0x2c: {  	v3 =	vld [tilespmem:$0x0];
	_ =	sdelay $0x4  }
0x2d: {  	v4 =	vshrl.u32 v3, $0x3  }
0x2e: {  	v4 =	vmul.u32 $0x30, v4  }
0x2f: {  	v3 =	vand.u32 $0x7, v3  }
0x30: {  	v3 =	vor.u32 v3, v4  }
0x31: {  	v4 =	vperm.xlane v3, v0;
	_ =	sdelay $0x1  }
0x32: {  	v4 =	vadd.s32 v1, v4;
	_ =	sdelay $0x3  }
0x33: {  	v3 =	vperm.xlane v3, v2  }
0x34: {  	[tilespmem:s8], [sflag:$0x1] =	stream.indirect_vreg.gather [hbm4b:s3+s2], $0x80, v4, vm0, $0xb8;
	[tilespmem:$0x18080] =	vst v63  }
0x35: {  	s0 =	rddreg [dreg:$0x4];
	v3 =	vadd.s32 v1, v3  }
0x36: {  	[tilespmem:s0], [sflag:$0x1] =	stream.indirect_vreg.gather [hbm4b:s4+s2], $0x80, v4, vm0, $0xb8;
	[tilespmem:$0x18080] =	vst v63  }
0x37: {  	s9 =	rddreg [dreg:$0x5]  }
0x38: {  	[tilespmem:s9], [sflag:$0x1] =	stream.indirect_vreg.gather [hbm4b:s5+s2], $0x80, v4, vm0, $0xb8;
	[tilespmem:$0x18080] =	vst v63  }
0x39: {  	s0 =	rddreg [dreg:$0x6]  }
0x3a: {  	[tilespmem:s0], [sflag:$0x1] =	stream.indirect_vreg.gather [hbm4b:s3+s2], $0x80, v3, vm0, $0xb8;
	[tilespmem:$0x18080] =	vst v63  }
0x3b: {  	s9 =	rddreg [dreg:$0x7]  }
0x3c: {  	[tilespmem:s9], [sflag:$0x1] =	stream.indirect_vreg.gather [hbm4b:s4+s2], $0x80, v3, vm0, $0xb8;
	[tilespmem:$0x18080] =	vst v63  }
0x3d: {  	s0 =	rddreg [dreg:$0x8]  }
0x3e: {  	[tilespmem:s0], [sflag:$0x1] =	stream.indirect_vreg.gather [hbm4b:s5+s2], $0x80, v3, vm0, $0xb8;
	[tilespmem:$0x18080] =	vst v63  }
0x3f: {  	v3 =	vld [tilespmem:$0x10];
	_ =	sdelay $0x4  }
0x40: {  	v57 =	vshrl.u32 v3, $0x3  }
0x41: {  	v4 =	vmul.u32 $0x30, v57  }
0x42: {  	v3 =	vand.u32 $0x7, v3  }
0x43: {  	v3 =	vor.u32 v3, v4  }
0x44: {  	v4 =	vperm.xlane v3, v0;
	_ =	sdelay $0x1  }
0x45: {  	v4 =	vadd.s32 v1, v4;
	_ =	sdelay $0x3  }
0x46: {  	s0 =	rddreg [dreg:$0x9];
	v3 =	vperm.xlane v3, v2  }
0x47: {  	[tilespmem:s0], [sflag:$0x1] =	stream.indirect_vreg.gather [hbm4b:s3+s2], $0x80, v4, vm0, $0xb8;
	[tilespmem:$0x18080] =	vst v63  }
0x48: {  	s9 =	rddreg [dreg:$0xa];
	v3 =	vadd.s32 v1, v3  }
0x49: {  	[tilespmem:s9], [sflag:$0x1] =	stream.indirect_vreg.gather [hbm4b:s4+s2], $0x80, v4, vm0, $0xb8;
	[tilespmem:$0x18080] =	vst v63  }
0x4a: {  	s0 =	rddreg [dreg:$0xb]  }
0x4b: {  	[tilespmem:s0], [sflag:$0x1] =	stream.indirect_vreg.gather [hbm4b:s5+s2], $0x80, v4, vm0, $0xb8;
	[tilespmem:$0x18080] =	vst v63  }
0x4c: {  	s9 =	rddreg [dreg:$0xc]  }
0x4d: {  	[tilespmem:s9], [sflag:$0x1] =	stream.indirect_vreg.gather [hbm4b:s3+s2], $0x80, v3, vm0, $0xb8;
	[tilespmem:$0x18080] =	vst v63  }
0x4e: {  	s0 =	rddreg [dreg:$0xd]  }
0x4f: {  	[tilespmem:s0], [sflag:$0x1] =	stream.indirect_vreg.gather [hbm4b:s4+s2], $0x80, v3, vm0, $0xb8;
	[tilespmem:$0x18080] =	vst v63  }
0x50: {  	s9 =	rddreg [dreg:$0xe]  }
0x51: {  	[tilespmem:s9], [sflag:$0x1] =	stream.indirect_vreg.gather [hbm4b:s5+s2], $0x80, v3, vm0, $0xb8;
	[tilespmem:$0x18080] =	vst v63  }
0x52: {  	v3 =	vld [tilespmem:$0x20];
	_ =	sdelay $0x4  }
0x53: {  	v58 =	vshrl.u32 v3, $0x3  }
0x54: {  	v4 =	vmul.u32 $0x30, v58  }
0x55: {  	v3 =	vand.u32 $0x7, v3  }
0x56: {  	v3 =	vor.u32 v3, v4  }
0x57: {  	v4 =	vperm.xlane v3, v0;
	_ =	sdelay $0x1  }
0x58: {  	v4 =	vadd.s32 v1, v4;
	_ =	sdelay $0x3  }
0x59: {  	s0 =	rddreg [dreg:$0xf];
	v3 =	vperm.xlane v3, v2  }
0x5a: {  	[tilespmem:s0], [sflag:$0x1] =	stream.indirect_vreg.gather [hbm4b:s3+s2], $0x80, v4, vm0, $0xb8;
	[tilespmem:$0x18080] =	vst v63  }
0x5b: {  	s9 =	rddreg [dreg:$0x10];
	v3 =	vadd.s32 v1, v3  }
0x5c: {  	[tilespmem:s9], [sflag:$0x1] =	stream.indirect_vreg.gather [hbm4b:s4+s2], $0x80, v4, vm0, $0xb8;
	[tilespmem:$0x18080] =	vst v63  }
0x5d: {  	s0 =	rddreg [dreg:$0x11]  }
0x5e: {  	[tilespmem:s0], [sflag:$0x1] =	stream.indirect_vreg.gather [hbm4b:s5+s2], $0x80, v4, vm0, $0xb8;
	[tilespmem:$0x18080] =	vst v63  }
0x5f: {  	s9 =	rddreg [dreg:$0x12]  }
0x60: {  	[tilespmem:s9], [sflag:$0x1] =	stream.indirect_vreg.gather [hbm4b:s3+s2], $0x80, v3, vm0, $0xb8;
	[tilespmem:$0x18080] =	vst v63  }
0x61: {  	s0 =	rddreg [dreg:$0x13]  }
0x62: {  	[tilespmem:s0], [sflag:$0x1] =	stream.indirect_vreg.gather [hbm4b:s4+s2], $0x80, v3, vm0, $0xb8;
	[tilespmem:$0x18080] =	vst v63  }
0x63: {  	s9 =	rddreg [dreg:$0x14]  }
0x64: {  	[tilespmem:s9], [sflag:$0x1] =	stream.indirect_vreg.gather [hbm4b:s5+s2], $0x80, v3, vm0, $0xb8;
	[tilespmem:$0x18080] =	vst v63  }
0x65: {  	v3 =	vld [tilespmem:$0x30];
	_ =	sdelay $0x4  }
0x66: {  	v59 =	vshrl.u32 v3, $0x3  }
0x67: {  	v4 =	vmul.u32 $0x30, v59  }
0x68: {  	v3 =	vand.u32 $0x7, v3  }
0x69: {  	v3 =	vor.u32 v3, v4  }
0x6a: {  	v4 =	vperm.xlane v3, v0;
	_ =	sdelay $0x1  }
0x6b: {  	v4 =	vadd.s32 v1, v4;
	_ =	sdelay $0x3  }
0x6c: {  	s0 =	rddreg [dreg:$0x15];
	v3 =	vperm.xlane v3, v2  }
0x6d: {  	[tilespmem:s0], [sflag:$0x1] =	stream.indirect_vreg.gather [hbm4b:s3+s2], $0x80, v4, vm0, $0xb8;
	[tilespmem:$0x18080] =	vst v63  }
0x6e: {  	s9 =	rddreg [dreg:$0x16];
	v3 =	vadd.s32 v1, v3  }
0x6f: {  	[tilespmem:s9], [sflag:$0x1] =	stream.indirect_vreg.gather [hbm4b:s4+s2], $0x80, v4, vm0, $0xb8;
	[tilespmem:$0x18080] =	vst v63  }
0x70: {  	s0 =	rddreg [dreg:$0x17]  }
0x71: {  	[tilespmem:s0], [sflag:$0x1] =	stream.indirect_vreg.gather [hbm4b:s5+s2], $0x80, v4, vm0, $0xb8;
	[tilespmem:$0x18080] =	vst v63  }
0x72: {  	s9 =	rddreg [dreg:$0x18]  }
0x73: {  	[tilespmem:s9], [sflag:$0x1] =	stream.indirect_vreg.gather [hbm4b:s3+s2], $0x80, v3, vm0, $0xb8;
	[tilespmem:$0x18080] =	vst v63  }
0x74: {  	s0 =	rddreg [dreg:$0x19]  }
0x75: {  	[tilespmem:s0], [sflag:$0x1] =	stream.indirect_vreg.gather [hbm4b:s4+s2], $0x80, v3, vm0, $0xb8;
	[tilespmem:$0x18080] =	vst v63  }
0x76: {  	s9 =	rddreg [dreg:$0x1a]  }
0x77: {  	[tilespmem:s9], [sflag:$0x1] =	stream.indirect_vreg.gather [hbm4b:s5+s2], $0x80, v3, vm0, $0xb8;
	[tilespmem:$0x18080] =	vst v63  }
0x78: {  	v3 =	vld [tilespmem:$0x40];
	_ =	sdelay $0x4  }
0x79: {  	v60 =	vshrl.u32 v3, $0x3  }
0x7a: {  	v4 =	vmul.u32 $0x30, v60  }
0x7b: {  	v3 =	vand.u32 $0x7, v3  }
0x7c: {  	v3 =	vor.u32 v3, v4  }
0x7d: {  	v4 =	vperm.xlane v3, v0;
	_ =	sdelay $0x1  }
0x7e: {  	v4 =	vadd.s32 v1, v4;
	_ =	sdelay $0x3  }
0x7f: {  	s0 =	rddreg [dreg:$0x1b];
	v3 =	vperm.xlane v3, v2  }
0x80: {  	[tilespmem:s0], [sflag:$0x1] =	stream.indirect_vreg.gather [hbm4b:s3+s2], $0x80, v4, vm0, $0xb8;
	[tilespmem:$0x18080] =	vst v63  }
0x81: {  	s9 =	rddreg [dreg:$0x1c];
	v3 =	vadd.s32 v1, v3  }
0x82: {  	[tilespmem:s9], [sflag:$0x1] =	stream.indirect_vreg.gather [hbm4b:s4+s2], $0x80, v4, vm0, $0xb8;
	[tilespmem:$0x18080] =	vst v63  }
0x83: {  	s9 =	simm.s32 $0xD080  }
0x84: {  	[tilespmem:s9], [sflag:$0x1] =	stream.indirect_vreg.gather [hbm4b:s5+s2], $0x80, v4, vm0, $0xb8;
	[tilespmem:$0x18080] =	vst v63  }
0x85: {  	_ = 	snop  }
0x86: {  	[tilespmem:s10], [sflag:$0x1] =	stream.indirect_vreg.gather [hbm4b:s3+s2], $0x80, v3, vm0, $0xb8;
	[tilespmem:$0x18080] =	vst v63  }
0x87: {  	_ = 	snop  }
0x88: {  	[tilespmem:s11], [sflag:$0x1] =	stream.indirect_vreg.gather [hbm4b:s4+s2], $0x80, v3, vm0, $0xb8;
	[tilespmem:$0x18080] =	vst v63  }
0x89: {  	_ = 	snop  }
0x8a: {  	[tilespmem:s12], [sflag:$0x1] =	stream.indirect_vreg.gather [hbm4b:s5+s2], $0x80, v3, vm0, $0xb8;
	[tilespmem:$0x18080] =	vst v63  }
0x8b: {  	v3 =	vld [tilespmem:$0x50];
	_ =	sdelay $0x4  }
0x8c: {  	v61 =	vshrl.u32 v3, $0x3  }
0x8d: {  	v4 =	vmul.u32 $0x30, v61  }
0x8e: {  	v3 =	vand.u32 $0x7, v3  }
0x8f: {  	v3 =	vor.u32 v3, v4  }
0x90: {  	v4 =	vperm.xlane v3, v0;
	_ =	sdelay $0x1  }
0x91: {  	v4 =	vadd.s32 v1, v4;
	_ =	sdelay $0x3  }
0x92: {  	v3 =	vperm.xlane v3, v2  }
0x93: {  	[tilespmem:s13], [sflag:$0x1] =	stream.indirect_vreg.gather [hbm4b:s3+s2], $0x80, v4, vm0, $0xb8;
	[tilespmem:$0x18080] =	vst v63  }
0x94: {  	v3 =	vadd.s32 v1, v3  }
0x95: {  	[tilespmem:s14], [sflag:$0x1] =	stream.indirect_vreg.gather [hbm4b:s4+s2], $0x80, v4, vm0, $0xb8;
	[tilespmem:$0x18080] =	vst v63  }
0x96: {  	_ = 	snop  }
0x97: {  	[tilespmem:s15], [sflag:$0x1] =	stream.indirect_vreg.gather [hbm4b:s5+s2], $0x80, v4, vm0, $0xb8;
	[tilespmem:$0x18080] =	vst v63  }
0x98: {  	_ = 	snop  }
0x99: {  	[tilespmem:s16], [sflag:$0x1] =	stream.indirect_vreg.gather [hbm4b:s3+s2], $0x80, v3, vm0, $0xb8;
	[tilespmem:$0x18080] =	vst v63  }
0x9a: {  	_ = 	snop  }
0x9b: {  	[tilespmem:s17], [sflag:$0x1] =	stream.indirect_vreg.gather [hbm4b:s4+s2], $0x80, v3, vm0, $0xb8;
	[tilespmem:$0x18080] =	vst v63  }
0x9c: {  	_ = 	snop  }
0x9d: {  	[tilespmem:s18], [sflag:$0x1] =	stream.indirect_vreg.gather [hbm4b:s5+s2], $0x80, v3, vm0, $0xb8;
	[tilespmem:$0x18080] =	vst v63  }
0x9e: {  	v3 =	vld [tilespmem:$0x60];
	_ =	sdelay $0x4  }
0x9f: {  	v62 =	vshrl.u32 v3, $0x3  }
0xa0: {  	v4 =	vmul.u32 $0x30, v62  }
0xa1: {  	v3 =	vand.u32 $0x7, v3  }
0xa2: {  	v3 =	vor.u32 v3, v4  }
0xa3: {  	v4 =	vperm.xlane v3, v0;
	_ =	sdelay $0x1  }
0xa4: {  	v4 =	vadd.s32 v1, v4;
	_ =	sdelay $0x3  }
0xa5: {  	v3 =	vperm.xlane v3, v2  }
0xa6: {  	[tilespmem:s19], [sflag:$0x1] =	stream.indirect_vreg.gather [hbm4b:s3+s2], $0x80, v4, vm0, $0xb8;
	[tilespmem:$0x18080] =	vst v63  }
0xa7: {  	v3 =	vadd.s32 v1, v3  }
0xa8: {  	[tilespmem:s20], [sflag:$0x1] =	stream.indirect_vreg.gather [hbm4b:s4+s2], $0x80, v4, vm0, $0xb8;
	[tilespmem:$0x18080] =	vst v63  }
0xa9: {  	_ = 	snop  }
0xaa: {  	[tilespmem:s21], [sflag:$0x1] =	stream.indirect_vreg.gather [hbm4b:s5+s2], $0x80, v4, vm0, $0xb8;
	[tilespmem:$0x18080] =	vst v63  }
0xab: {  	_ = 	snop  }
0xac: {  	[tilespmem:s22], [sflag:$0x1] =	stream.indirect_vreg.gather [hbm4b:s3+s2], $0x80, v3, vm0, $0xb8;
	[tilespmem:$0x18080] =	vst v63  }
0xad: {  	_ = 	snop  }
0xae: {  	[tilespmem:s23], [sflag:$0x1] =	stream.indirect_vreg.gather [hbm4b:s4+s2], $0x80, v3, vm0, $0xb8;
	[tilespmem:$0x18080] =	vst v63  }
0xaf: {  	_ = 	snop  }
0xb0: {  	[tilespmem:s24], [sflag:$0x1] =	stream.indirect_vreg.gather [hbm4b:s5+s2], $0x80, v3, vm0, $0xb8;
	[tilespmem:$0x18080] =	vst v63  }
0xb1: {  	v3 =	vld [tilespmem:$0x70];
	_ =	sdelay $0x4  }
0xb2: {  	v63 =	vshrl.u32 v3, $0x3  }
0xb3: {  	v4 =	vmul.u32 $0x30, v63  }
0xb4: {  	v3 =	vand.u32 $0x7, v3  }
0xb5: {  	v3 =	vor.u32 v3, v4  }
0xb6: {  	v4 =	vperm.xlane v3, v0;
	_ =	sdelay $0x1  }
0xb7: {  	v4 =	vadd.s32 v1, v4;
	_ =	sdelay $0x3  }
0xb8: {  	v3 =	vperm.xlane v3, v2  }
0xb9: {  	[tilespmem:s25], [sflag:$0x1] =	stream.indirect_vreg.gather [hbm4b:s3+s2], $0x80, v4, vm0, $0xb8;
	[tilespmem:$0x18080] =	vst v63  }
0xba: {  	v3 =	vadd.s32 v1, v3  }
0xbb: {  	[tilespmem:s26], [sflag:$0x1] =	stream.indirect_vreg.gather [hbm4b:s4+s2], $0x80, v4, vm0, $0xb8;
	[tilespmem:$0x18080] =	vst v63  }
0xbc: {  	_ = 	snop  }
0xbd: {  	[tilespmem:s28], [sflag:$0x1] =	stream.indirect_vreg.gather [hbm4b:s5+s2], $0x80, v4, vm0, $0xb8;
	[tilespmem:$0x18080] =	vst v63  }
0xbe: {  	_ = 	snop  }
0xbf: {  	[tilespmem:s29], [sflag:$0x1] =	stream.indirect_vreg.gather [hbm4b:s3+s2], $0x80, v3, vm0, $0xb8;
	[tilespmem:$0x18080] =	vst v63  }
0xc0: {  	_ = 	snop  }
0xc1: {  	[tilespmem:s30], [sflag:$0x1] =	stream.indirect_vreg.gather [hbm4b:s4+s2], $0x80, v3, vm0, $0xb8;
	[tilespmem:$0x18080] =	vst v63  }
0xc2: {  	_ = 	snop  }
0xc3: {  	[tilespmem:s31], [sflag:$0x1] =	stream.indirect_vreg.gather [hbm4b:s5+s2], $0x80, v3, vm0, $0xb8;
	[tilespmem:$0x18080] =	vst v63  }
0xc4: {  	_ =	swait.ge [sflag:s1], $0x18000  }
0xc5: {  	p0 =	sne.s32 s6, $0x1;
	[sflag:s1] =	ssyncset.done $0x0  }
.Ltmp0:
0xc6: {  	s9 =	rddreg [dreg:$0x3];
	[sflag:s1] =	ssyncadd.s32 $0xFFFE8000;
	(pc) =	sbr.rel @p0 .LBB2_1-.Ltmp0, $4  }
0xc7: {  	[hbm4b:s9+s2] =	stream.linear.scatter [tilespmem:s8], [sflag:$0x2], $0x18000, $0x38;
	[tilespmem:$0x18080] =	vst v63  }
0xc8: {  	_ =	swait.ge [sflag:s7], $0x18000  }
0xc9: {  	[sflag:s7] =	ssyncset.done $0x0  }
0xca: {  	s6 =	sadd.s32 $0xFFFFFFFF, s6;
	[sflag:s7] =	ssyncadd.s32 $0xFFFE8000  }
0xcb: {  	_ =	sfence.sel $0x180000  }
0xcc: {  	[bflag:$0x0] =	sbarrier.arrive $0xFFFF  }
0xcd: {  	_ =	strace $0x9000004A  }
0xce: {  	s0 =	stileid.u32;
	[bflag:$0x2] =	sbarrier.arrive $0xFFFF  }
0xcf: {  	p0 =	sne.s32 s0, $0x0;
	s0 =	rddreg [dreg:$0x1]  }
0xd0: {  	s0 =	sadd.s32 @!p0 $0x100000, s0  }
0xd1: {  	[sflag:s0] =	ssyncadd.tile.s32 @!p0 $0x1;
	_ =	shalt  }
.Lfunc_end2:
_tile_overlayer_lowered:
.L_overlay_start_2:
0xd2: {  	(tag) =	ssettag $0x2  }
0xd3: {  	s0 =	rddreg [dreg:$0x0];
	s2 =	stileid.u32  }
0xd4: {  	s1 =	rddreg [dreg:$0x1];
	p0 =	sne.s32 s2, $0x0  }
0xd5: {  	s3 =	rddreg [dreg:$0x2];
	[bflag:$0x3] =	sbarrier.arrive $0xFFFF;
	s2 =	simm.s32 @!p0 $0x1C02  }
0xd6: {  	[timem:s3], [sflag:s2] =	dma.local @!p0 [hbm:s0], s1  }
0xd7: {  	s0 =	simm.s32 @!p0 $0x2  }
0xd8: {  	_ =	swait.ge @!p0 [sflag:s0], s1  }
0xd9: {  	s1 =	ssub.s32 @!p0 $0x0, s1;
	[sflag:s0] =	ssyncset.done @!p0 $0x0  }
0xda: {  	[sflag:s0] =	ssyncadd.s32 @!p0 s1  }
0xdb: {  	[bflag:$0x3] =	sbarrier.arrive $0xFFFF  }
0xdc: {  	_ =	shalt  }

// kernel: kernel.8.cloned.1.call-start
scs
__scs_entry_jumppad:
0x0: {  	(pc) =	sbr.rel $0x88, $3  }
0x1: {  	(tag) =	ssettag $0x0;
	lr =	simm.s32 $0x1  }
0x2: {  	[smem:$0x3F93] =	sst lr;
	_ =	strace $0xD0000000  }
0x3: {  	_ = 	snop  }
0x4: {  	_ = 	snop  }
0x5: {  	_ = 	snop  }
0x6: {  	_ = 	snop  }
0x7: {  	_ = 	snop  }
__scs_overlays_trampoline_lowered:
0x8: {  	[smem:$0x3FA2] =	sst s0  }
0x9: {  	[smem:$0x3FA3] =	sst s1  }
0xa: {  	[smem:$0x3FA4] =	sst s2  }
0xb: {  	[smem:$0x3FA5] =	sst s3  }
0xc: {  	[smem:$0x3FA6] =	sst s4  }
0xd: {  	[smem:$0x3FA7] =	sst s5  }
0xe: {  	[smem:$0x3FA8] =	sst s6  }
0xf: {  	[smem:$0x3FA9] =	sst s7  }
0x10: {  	[smem:$0x3FAA] =	sst s8  }
0x11: {  	[smem:$0x3FAB] =	sst s9;
	s0 =	simm.s32 @!p0 $0x0  }
0x12: {  	s1 =	sld [smem:$0x3F91];
	s0 =	simm.s32 @p0 $0x1  }
0x13: {  	[smem:$0x3FAC] =	sst s0;
	s0 =	simm.s32 @!p1 $0x0  }
0x14: {  	s2 =	sld [smem:$0x3F90];
	s0 =	simm.s32 @p1 $0x1  }
0x15: {  	[smem:$0x3FAD] =	sst s0;
	s0 =	simm.s32 @!p2 $0x0  }
0x16: {  	s3 =	sld [smem:$0x3FDB];
	s0 =	simm.s32 @p2 $0x1  }
0x17: {  	s4 =	simm.s32 $0x1BF5;
	[smem:$0x3FAF] =	sst s0  }
0x18: {  	s0 =	sld [smem:$0x3F92];
	_ =	swait.ge [sflag:s4], $0x0  }
0x19: {  	s7 =	sld [smem:$0x3F93]  }
0x1a: {  	s8 =	sadd.s32 $0xFFFFE003, lr  }
0x1b: {  	s9 =	sadd.s32 $0xFFFFFEF7, lr;
	s5 =	simm.s32 $0xFFFFFFFF;
	p2 =	slt.u32 s8, $0xFFFFF086  }
0x1c: {  	p1 =	slt.u32 s9, $0xF7A;
	s5 =	simm.s32 @!p2 $0x0  }
0x1d: {  	s5 =	simm.s32 @p1 $0x1;
	p0 =	seq.s32 s7, s2  }
0x1e: {  	s7 =	smul.u32 @!p0 $0xF7A, s2;
	p2 =	seq.s32 @!p0 s5, $0x0  }
0x1f: {  	s9 =	smul.u32 $0xF7A, s1;
	s8 =	simm.s32 @!p0 $0x1BF5;
	p2 =	por !p2, p0  }
0x20: {  	[sflag:s8] =	ssyncset.s32 @!p0 $0xFFFFF086;
	s6 =	sadd.s32 @!p0 s3, s7;
	s7 =	simm.s32 @!p0 $0x108  }
0x21: {  	s3 =	sadd.s32 s3, s9;
	s6 =	sadd.s32 @!p0 $0x88, s6;
	s7 =	simm.s32 @p2 $0x1082  }
0x22: {  	[simem:s7], [sflag:s8] =	dma.local @!p0 [hbm:s6], $0xF7A  }
0x23: {  	s9 =	sor.u32 $0xD0000000, s2;
	s6 =	simm.s32 $0x108;
	_ =	swait.ge @!p0 [sflag:s8], $0x0  }
0x24: {  	s3 =	sadd.s32 $0x88, s3;
	s6 =	simm.s32 @!p1 $0x1082;
	[sflag:s4] =	ssyncset.s32 $0xFFFFF086  }
0x25: {  	[simem:s6], [sflag:s4] =	dma.local [hbm:s3], $0xF7A  }
0x26: {  	[smem:$0x3F93] =	sst s1;
	(tag) =	ssettag s2;
	_ =	strace s9  }
0x27: {  	s1 =	sld [smem:$0x3FA3]  }
0x28: {  	s2 =	sld [smem:$0x3FA4]  }
0x29: {  	s4 =	sld [smem:$0x3FA6]  }
0x2a: {  	p0 =	seq.s32 s5, $0x0;
	s5 =	sld [smem:$0x3FA7]  }
0x2b: {  	s6 =	sld [smem:$0x3FA8]  }
0x2c: {  	s7 =	sld [smem:$0x3FA9]  }
0x2d: {  	s3 =	simm.s32 $0x108;
	s8 =	sld [smem:$0x3FAA]  }
0x2e: {  	s3 =	simm.s32 @!p0 $0x1082;
	s9 =	sld [smem:$0x3FAB]  }
0x2f: {  	lr =	sadd.s32 s0, s3;
	s0 =	sld [smem:$0x3FA2]  }
0x30: {  	s3 =	sld [smem:$0x3FA5]  }
0x31: {  	[smem:$0x3FAE] =	sst s10  }
0x32: {  	s10 =	sld [smem:$0x3FAC];
	_ =	sdelay $0x3  }
0x33: {  	p0 =	seq.s32 s10, $0x1;
	s10 =	sld [smem:$0x3FAE];
	_ =	sdelay $0x3  }
0x34: {  	[smem:$0x3FAE] =	sst s10  }
0x35: {  	s10 =	sld [smem:$0x3FAD];
	_ =	sdelay $0x3  }
0x36: {  	p1 =	seq.s32 s10, $0x1;
	s10 =	sld [smem:$0x3FAE];
	_ =	sdelay $0x3  }
0x37: {  	[smem:$0x3FAE] =	sst s10  }
0x38: {  	s10 =	sld [smem:$0x3FAF]  }
0x39: {  	_ = 	snop;
	(pc) =	sbr.ind lr, $3  }
0x3a: {  	_ = 	snop  }
0x3b: {  	_ = 	snop  }
0x3c: {  	p2 =	seq.s32 s10, $0x1;
	s10 =	sld [smem:$0x3FAE]  }
0x3d: {  	_ =	shalt  }
0x3e: {  	_ =	shalt  }
0x3f: {  	_ =	shalt  }
0x40: {  	_ =	shalt  }
0x41: {  	_ =	shalt  }
0x42: {  	_ =	shalt  }
0x43: {  	_ =	shalt  }
0x44: {  	_ =	shalt  }
0x45: {  	_ =	shalt  }
0x46: {  	_ =	shalt  }
0x47: {  	_ =	shalt  }
0x48: {  	_ =	shalt  }
0x49: {  	_ =	shalt  }
0x4a: {  	_ =	shalt  }
0x4b: {  	_ =	shalt  }
0x4c: {  	_ =	shalt  }
0x4d: {  	_ =	shalt  }
0x4e: {  	_ =	shalt  }
0x4f: {  	_ =	shalt  }
0x50: {  	_ =	shalt  }
0x51: {  	_ =	shalt  }
0x52: {  	_ =	shalt  }
0x53: {  	_ =	shalt  }
0x54: {  	_ =	shalt  }
0x55: {  	_ =	shalt  }
0x56: {  	_ =	shalt  }
0x57: {  	_ =	shalt  }
0x58: {  	_ =	shalt  }
0x59: {  	_ =	shalt  }
0x5a: {  	_ =	shalt  }
0x5b: {  	_ =	shalt  }
0x5c: {  	_ =	shalt  }
0x5d: {  	_ =	shalt  }
0x5e: {  	_ =	shalt  }
0x5f: {  	_ =	shalt  }
0x60: {  	_ =	shalt  }
0x61: {  	_ =	shalt  }
0x62: {  	_ =	shalt  }
0x63: {  	_ =	shalt  }
0x64: {  	_ =	shalt  }
0x65: {  	_ =	shalt  }
0x66: {  	_ =	shalt  }
0x67: {  	_ =	shalt  }
0x68: {  	_ =	shalt  }
0x69: {  	_ =	shalt  }
0x6a: {  	_ =	shalt  }
0x6b: {  	_ =	shalt  }
0x6c: {  	_ =	shalt  }
0x6d: {  	_ =	shalt  }
0x6e: {  	_ =	shalt  }
0x6f: {  	_ =	shalt  }
0x70: {  	_ =	shalt  }
0x71: {  	_ =	shalt  }
0x72: {  	_ =	shalt  }
0x73: {  	_ =	shalt  }
0x74: {  	_ =	shalt  }
0x75: {  	_ =	shalt  }
0x76: {  	_ =	shalt  }
0x77: {  	_ =	shalt  }
0x78: {  	_ =	shalt  }
0x79: {  	_ =	shalt  }
0x7a: {  	_ =	shalt  }
0x7b: {  	_ =	shalt  }
0x7c: {  	_ =	shalt  }
0x7d: {  	_ =	shalt  }
0x7e: {  	_ =	shalt  }
0x7f: {  	_ =	shalt  }
0x80: {  	_ =	shalt  }
0x81: {  	_ =	shalt  }
0x82: {  	_ =	shalt  }
0x83: {  	_ =	shalt  }
0x84: {  	_ =	shalt  }
0x85: {  	_ =	shalt  }
0x86: {  	_ =	shalt  }
0x87: {  	_ =	shalt  }
.Lfunc_end0:
.L_simem_size_0:
called_computation_lowered:
.L_overlay_start_0:
0x88: {  	s2 =	sld [smem:$0x3FD9]  }
0x89: {  	s3 =	sld [smem:$0x3FFE];
	_ =	sdelay $0x1  }
0x8a: {  	s1 =	srdreg.scid  }
0x8b: {  	s0 =	sand.u32 $0x1, s1  }
0x8c: {  	s17 =	sshll.u32 s0, $0xA;
	s2 =	sadd.s32 s3, s2  }
0x8d: {  	s2 =	sadd.s32 s2, s17  }
0x8e: {  	[smem:$0x3FBA] =	sst s2  }
0x8f: {  	_ = 	snop  }
0x90: {  	s2 =	sld [smem:$0x3FC9];
	(tm) =	ssettm $0x1  }
0x91: {  	s18 =	sld [smem:$0x3FFB];
	_ =	sdelay $0x3  }
0x92: {  	_ =	strace s18  }
0x93: {  	s3 =	sld [smem:$0x3FFC];
	_ =	sdelay $0x3  }
0x94: {  	_ =	strace s3  }
0x95: {  	s3 =	sld [smem:$0x3FFD];
	_ =	sdelay $0x3  }
0x96: {  	_ =	strace s3  }
0x97: {  	_ =	strace $0x8FFFFFFF  }
0x98: {  	s19 =	sld [smem:$0x3FDB];
	_ =	sdelay $0x1  }
0x99: {  	s4 =	simm.s32 $_scs_section_size  }
0x9a: {  	s5 =	simm.s32 $_size__tile_overlayer_lowered;
	s6 =	simm.s32 $_tile_overlayer_lowered  }
0x9b: {  	s22 =	simm.s32 $0x1BFF;
	s21 =	sshll.u32 s6, $0x1;
	s3 =	sadd.s32 s4, s19  }
0x9c: {  	s7 =	simm.s32 $0x0;
	s20 =	sshll.u32 s5, $0x1;
	s5 =	sadd.s32 s21, s3  }
0x9d: {  	[timem:s7], [sflag:s22] =	dma.local [hbm:s5], s20  }
0x9e: {  	_ =	swait.ge [sflag:s22], s20  }
0x9f: {  	s4 =	ssub.s32 $0x0, s20;
	[sflag:s22] =	ssyncset.done $0x0  }
0xa0: {  	[sflag:s22] =	ssyncadd.s32 s4;
	_ =	sdelay $0x1  }
0xa1: {  	s23 =	simm.s32 $0x1B8B  }
0xa2: {  	_ =	swait.ge [sflag:s23], $0x1  }
0xa3: {  	[sflag:s23] =	ssyncset.done $0x0  }
0xa4: {  	s25 =	simm.s32 $0x1B8E;
	s24 =	sld [smem:$0x3FFE];
	[sflag:s23] =	ssyncadd.s32 $0xFFFFFFFF  }
0xa5: {  	s26 =	simm.s32 $execute0_lowered;
	[smem:$0x3FD2] =	sst s25  }
0xa6: {  	s5 =	sshll.u32 s26, $0x1;
	_ =	strace $0x80000046;
	[dreg:$0x1] =	wrdreg $0xFFFFFFFF  }
0xa7: {  	s28 =	simm.s32 $_size_execute0_lowered;
	s3 =	sadd.s32 s3, s5;
	[dreg:$0x0] =	wrdreg $0x0  }
0xa8: {  	s5 =	sshll.u32 s28, $0x1;
	[dreg:$0x2] =	wrdreg s3  }
0xa9: {  	[dreg:$0x3] =	wrdreg s5  }
0xaa: {  	[dreg:$0x4] =	wrdreg $0xC0  }
0xab: {  	_ =	task [dreg:s7], $0x5FFFF  }
0xac: {  	[dreg:$0x1] =	wrdreg $0xFFFFFFFF  }
0xad: {  	[dreg:$0x0] =	wrdreg $0x60  }
0xae: {  	[dreg:$0x2] =	wrdreg s2  }
0xaf: {  	[dreg:$0x3] =	wrdreg s24  }
0xb0: {  	[dreg:$0x4] =	wrdreg $0x9  }
0xb1: {  	_ =	task.clear_ibuf [dreg:s7], $0x5FFFF;
	_ =	strace $0x90000046  }
0xb2: {  	s29 =	simm.s32 $0x9;
	_ =	strace $0x80000048  }
0xb3: {  	_ =	swait.ge [sflag:s29], $0x1  }
0xb4: {  	[sflag:s29] =	ssyncadd.s32 $0xFFFFFFFF  }
0xb5: {  	_ =	strace $0x90000048  }
0xb6: {  	_ =	sfence  }
0xb7: {  	s30 =	sld [smem:$0x0];
	_ =	sdelay $0x2  }
0xb8: {  	s31 =	sshll.u32 s1, $0xD;
	s1 =	sshrl.u32 s1, $0x2  }
0xb9: {  	s3 =	sand.u32 $0x4000, s31;
	s1 =	sadd.s32 s1, s30  }
0xba: {  	s0 =	sor.u32 s3, s0;
	s1 =	sshll.u32 s1, $0x11  }
0xbb: {  	s0 =	sor.u32 s1, s0  }
0xbc: {  	s0 =	sadd.s32 $0x8F2B, s0  }
0xbd: {  	[sflag:s0] =	ssyncadd.remote.s32 $0x1  }
0xbe: {  	_ =	sfence.sel $0xFFFF  }
0xbf: {  	[dreg:$0x0] =	wrdreg $0xFFFFFFFF;
	(pc) =	sbr.abs _section_cstart, $3  }
0xc0: {  	[dreg:$0x1] =	wrdreg $0xFFFFFFFF  }
0xc1: {  	_ =	task.clear_ibuf [dreg:s7], $0x2FFFF;
	_ =	strace $0x9FFFFFFF  }
0xc2: {  	(tm) =	ssettm $0x7FFFFFFF  }
0xc3: {  	_ =	shalt  }
tec
execute0_lowered:
.L_overlay_start_1:
0x0: {  	(tag) =	ssettag $0x1  }
0x1: {  	s1 =	rddreg [dreg:$0x0]  }
0x2: {  	s0 =	rddreg [dreg:$0x1];
	s2 =	srdreg.scid  }
0x3: {  	s3 =	simm.s32 $0x0;
	s4 =	stileid.u32;
	s10 =	simm.s32 $0x880  }
0x4: {  	s11 =	simm.s32 $0x1080;
	s12 =	simm.s32 $0x1880;
	s13 =	simm.s32 $0x2080  }
0x5: {  	s14 =	simm.s32 $0x2880;
	s15 =	simm.s32 $0x3080;
	s16 =	simm.s32 $0x3880  }
0x6: {  	s17 =	simm.s32 $0x4080;
	s18 =	simm.s32 $0x4880;
	s19 =	simm.s32 $0x5080  }
0x7: {  	s20 =	simm.s32 $0x5880;
	s21 =	simm.s32 $0x6080;
	s22 =	simm.s32 $0x6880  }
0x8: {  	s23 =	simm.s32 $0x7080;
	s24 =	simm.s32 $0x7880;
	s28 =	simm.s32 $0x9080  }
0x9: {  	s29 =	simm.s32 $0x9880;
	s30 =	simm.s32 $0xA080;
	s31 =	simm.s32 $0xA880  }
0xa: {  	s2 =	sand.u32 $0x1, s2;
	[smem:$0x7FF] =	sst s3;
	s4 =	sshll.u32 s4, $0x6  }
0xb: {  	s25 =	sadd.s32 $0x1E00, s0;
	s0 =	sadd.s32 $0xA200, s0;
	s5 =	sshll.u32 s2, $0x5  }
0xc: {  	_ =	strace $0x80000047;
	s2 =	ssub.s32 $0x2, s2;
	s4 =	sor.u32 s5, s4  }
0xd: {  	s8 =	sshrl.u32 s2, $0x1;
	s5 =	sadd.s32 $0x200, s1;
	s6 =	smul.u32 $0x300, s4  }
0xe: {  	s7 =	sadd.s32 s25, s4;
	s4 =	sor.u32 $0x10, s4;
	s2 =	ssub.s32 s2, s8  }
0xf: {  	s8 =	simm.s32 $0xB880;
	[dreg:$0x3] =	wrdreg s7;
	s26 =	smul.u32 $0x300, s4  }
0x10: {  	s4 =	sadd.s32 s25, s4;
	s7 =	simm.s32 $0x2;
	s25 =	simm.s32 $0x8080  }
0x11: {  	v2 =	vlaneseq.u32;
	s6 =	sadd.s32 s0, s6;
	[dreg:$0x5] =	wrdreg s4;
	s4 =	sadd.s32 $0x100, s1  }
0x12: {  	vm0 =	vmmov $0xffff;
	v1 =	vshrl.u32 v2, $0x3;
	[dreg:$0x4] =	wrdreg s6;
	s0 =	sadd.s32 s0, s26;
	s6 =	smax.u32 s2, $0x1  }
0x13: {  	v0 =	vand.u32 $0x7, v2;
	v2 =	vor.u32 $0x8, v2;
	v1 =	vmul.u32 $0x8, v1;
	s2 =	simm.s32 $0x1;
	s26 =	simm.s32 $0x8880;
	[dreg:$0x6] =	wrdreg s0  }
.LBB2_1:
0x14: {  	s9 =	rddreg [dreg:$0x3]  }
0x15: {  	[tilespmem:s3], [sflag:$0x2] =	stream.linear.gather [hbm4b:s9+s3], $0x80, $0x38;
	[tilespmem:$0x18080] =	vst v63  }
0x16: {  	_ =	swait.ge [sflag:s7], $0x80  }
0x17: {  	[sflag:s7] =	ssyncset.done $0x0  }
0x18: {  	[sflag:s7] =	ssyncadd.s32 $0xFFFFFF80  }
0x19: {  	v3 =	vld [tilespmem:$0x0];
	_ =	sdelay $0x4  }
0x1a: {  	v4 =	vshrl.u32 v3, $0x3  }
0x1b: {  	v4 =	vmul.u32 $0x30, v4  }
0x1c: {  	v3 =	vand.u32 $0x7, v3  }
0x1d: {  	v3 =	vor.u32 v3, v4  }
0x1e: {  	v4 =	vperm.xlane v3, v0;
	_ =	sdelay $0x1  }
0x1f: {  	v4 =	vadd.s32 v1, v4;
	_ =	sdelay $0x3  }
0x20: {  	s0 =	simm.s32 $0x80;
	v3 =	vperm.xlane v3, v2  }
0x21: {  	[tilespmem:s0], [sflag:$0x1] =	stream.indirect_vreg.gather [hbm4b:s1+s3], $0x80, v4, vm0, $0xb8;
	[tilespmem:$0x18080] =	vst v63  }
0x22: {  	v3 =	vadd.s32 v1, v3  }
0x23: {  	[tilespmem:s10], [sflag:$0x1] =	stream.indirect_vreg.gather [hbm4b:s4+s3], $0x80, v4, vm0, $0xb8;
	[tilespmem:$0x18080] =	vst v63  }
0x24: {  	_ = 	snop  }
0x25: {  	[tilespmem:s11], [sflag:$0x1] =	stream.indirect_vreg.gather [hbm4b:s5+s3], $0x80, v4, vm0, $0xb8;
	[tilespmem:$0x18080] =	vst v63  }
0x26: {  	_ = 	snop  }
0x27: {  	[tilespmem:s12], [sflag:$0x1] =	stream.indirect_vreg.gather [hbm4b:s1+s3], $0x80, v3, vm0, $0xb8;
	[tilespmem:$0x18080] =	vst v63  }
0x28: {  	_ = 	snop  }
0x29: {  	[tilespmem:s13], [sflag:$0x1] =	stream.indirect_vreg.gather [hbm4b:s4+s3], $0x80, v3, vm0, $0xb8;
	[tilespmem:$0x18080] =	vst v63  }
0x2a: {  	_ = 	snop  }
0x2b: {  	[tilespmem:s14], [sflag:$0x1] =	stream.indirect_vreg.gather [hbm4b:s5+s3], $0x80, v3, vm0, $0xb8;
	[tilespmem:$0x18080] =	vst v63  }
0x2c: {  	v3 =	vld [tilespmem:$0x10];
	_ =	sdelay $0x4  }
0x2d: {  	v49 =	vshrl.u32 v3, $0x3  }
0x2e: {  	v4 =	vmul.u32 $0x30, v49  }
0x2f: {  	v3 =	vand.u32 $0x7, v3  }
0x30: {  	v3 =	vor.u32 v3, v4  }
0x31: {  	v4 =	vperm.xlane v3, v0;
	_ =	sdelay $0x1  }
0x32: {  	v4 =	vadd.s32 v1, v4;
	_ =	sdelay $0x3  }
0x33: {  	v3 =	vperm.xlane v3, v2  }
0x34: {  	[tilespmem:s15], [sflag:$0x1] =	stream.indirect_vreg.gather [hbm4b:s1+s3], $0x80, v4, vm0, $0xb8;
	[tilespmem:$0x18080] =	vst v63  }
0x35: {  	v3 =	vadd.s32 v1, v3  }
0x36: {  	[tilespmem:s16], [sflag:$0x1] =	stream.indirect_vreg.gather [hbm4b:s4+s3], $0x80, v4, vm0, $0xb8;
	[tilespmem:$0x18080] =	vst v63  }
0x37: {  	_ = 	snop  }
0x38: {  	[tilespmem:s17], [sflag:$0x1] =	stream.indirect_vreg.gather [hbm4b:s5+s3], $0x80, v4, vm0, $0xb8;
	[tilespmem:$0x18080] =	vst v63  }
0x39: {  	_ = 	snop  }
0x3a: {  	[tilespmem:s18], [sflag:$0x1] =	stream.indirect_vreg.gather [hbm4b:s1+s3], $0x80, v3, vm0, $0xb8;
	[tilespmem:$0x18080] =	vst v63  }
0x3b: {  	_ = 	snop  }
0x3c: {  	[tilespmem:s19], [sflag:$0x1] =	stream.indirect_vreg.gather [hbm4b:s4+s3], $0x80, v3, vm0, $0xb8;
	[tilespmem:$0x18080] =	vst v63  }
0x3d: {  	_ = 	snop  }
0x3e: {  	[tilespmem:s20], [sflag:$0x1] =	stream.indirect_vreg.gather [hbm4b:s5+s3], $0x80, v3, vm0, $0xb8;
	[tilespmem:$0x18080] =	vst v63  }
0x3f: {  	v3 =	vld [tilespmem:$0x20];
	_ =	sdelay $0x4  }
0x40: {  	v50 =	vshrl.u32 v3, $0x3  }
0x41: {  	v4 =	vmul.u32 $0x30, v50  }
0x42: {  	v3 =	vand.u32 $0x7, v3  }
0x43: {  	v3 =	vor.u32 v3, v4  }
0x44: {  	v4 =	vperm.xlane v3, v0;
	_ =	sdelay $0x1  }
0x45: {  	v4 =	vadd.s32 v1, v4;
	_ =	sdelay $0x3  }
0x46: {  	v3 =	vperm.xlane v3, v2  }
0x47: {  	[tilespmem:s21], [sflag:$0x1] =	stream.indirect_vreg.gather [hbm4b:s1+s3], $0x80, v4, vm0, $0xb8;
	[tilespmem:$0x18080] =	vst v63  }
0x48: {  	v3 =	vadd.s32 v1, v3  }
0x49: {  	[tilespmem:s22], [sflag:$0x1] =	stream.indirect_vreg.gather [hbm4b:s4+s3], $0x80, v4, vm0, $0xb8;
	[tilespmem:$0x18080] =	vst v63  }
0x4a: {  	_ = 	snop  }
0x4b: {  	[tilespmem:s23], [sflag:$0x1] =	stream.indirect_vreg.gather [hbm4b:s5+s3], $0x80, v4, vm0, $0xb8;
	[tilespmem:$0x18080] =	vst v63  }
0x4c: {  	_ = 	snop  }
0x4d: {  	[tilespmem:s24], [sflag:$0x1] =	stream.indirect_vreg.gather [hbm4b:s1+s3], $0x80, v3, vm0, $0xb8;
	[tilespmem:$0x18080] =	vst v63  }
0x4e: {  	_ = 	snop  }
0x4f: {  	[tilespmem:s25], [sflag:$0x1] =	stream.indirect_vreg.gather [hbm4b:s4+s3], $0x80, v3, vm0, $0xb8;
	[tilespmem:$0x18080] =	vst v63  }
0x50: {  	_ = 	snop  }
0x51: {  	[tilespmem:s26], [sflag:$0x1] =	stream.indirect_vreg.gather [hbm4b:s5+s3], $0x80, v3, vm0, $0xb8;
	[tilespmem:$0x18080] =	vst v63  }
0x52: {  	v3 =	vld [tilespmem:$0x30];
	_ =	sdelay $0x4  }
0x53: {  	v51 =	vshrl.u32 v3, $0x3  }
0x54: {  	v4 =	vmul.u32 $0x30, v51  }
0x55: {  	v3 =	vand.u32 $0x7, v3  }
0x56: {  	v3 =	vor.u32 v3, v4  }
0x57: {  	v4 =	vperm.xlane v3, v0;
	_ =	sdelay $0x1  }
0x58: {  	v4 =	vadd.s32 v1, v4;
	_ =	sdelay $0x3  }
0x59: {  	v3 =	vperm.xlane v3, v2  }
0x5a: {  	[tilespmem:s28], [sflag:$0x1] =	stream.indirect_vreg.gather [hbm4b:s1+s3], $0x80, v4, vm0, $0xb8;
	[tilespmem:$0x18080] =	vst v63  }
0x5b: {  	v3 =	vadd.s32 v1, v3  }
0x5c: {  	[tilespmem:s29], [sflag:$0x1] =	stream.indirect_vreg.gather [hbm4b:s4+s3], $0x80, v4, vm0, $0xb8;
	[tilespmem:$0x18080] =	vst v63  }
0x5d: {  	_ = 	snop  }
0x5e: {  	[tilespmem:s30], [sflag:$0x1] =	stream.indirect_vreg.gather [hbm4b:s5+s3], $0x80, v4, vm0, $0xb8;
	[tilespmem:$0x18080] =	vst v63  }
0x5f: {  	_ = 	snop  }
0x60: {  	[tilespmem:s31], [sflag:$0x1] =	stream.indirect_vreg.gather [hbm4b:s1+s3], $0x80, v3, vm0, $0xb8;
	[tilespmem:$0x18080] =	vst v63  }
0x61: {  	s9 =	simm.s32 $0xB080  }
0x62: {  	[tilespmem:s9], [sflag:$0x1] =	stream.indirect_vreg.gather [hbm4b:s4+s3], $0x80, v3, vm0, $0xb8;
	[tilespmem:$0x18080] =	vst v63  }
0x63: {  	_ = 	snop  }
0x64: {  	[tilespmem:s8], [sflag:$0x1] =	stream.indirect_vreg.gather [hbm4b:s5+s3], $0x80, v3, vm0, $0xb8;
	[tilespmem:$0x18080] =	vst v63  }
0x65: {  	v3 =	vld [tilespmem:$0x40];
	_ =	sdelay $0x4  }
0x66: {  	v52 =	vshrl.u32 v3, $0x3  }
0x67: {  	v4 =	vmul.u32 $0x30, v52  }
0x68: {  	v3 =	vand.u32 $0x7, v3  }
0x69: {  	v3 =	vor.u32 v3, v4  }
0x6a: {  	v4 =	vperm.xlane v3, v0;
	_ =	sdelay $0x1  }
0x6b: {  	v4 =	vadd.s32 v1, v4;
	_ =	sdelay $0x3  }
0x6c: {  	s9 =	simm.s32 $0xC080;
	v3 =	vperm.xlane v3, v2  }
0x6d: {  	[tilespmem:s9], [sflag:$0x1] =	stream.indirect_vreg.gather [hbm4b:s1+s3], $0x80, v4, vm0, $0xb8;
	[tilespmem:$0x18080] =	vst v63  }
0x6e: {  	v3 =	vadd.s32 v1, v3;
	s9 =	simm.s32 $0xC880  }
0x6f: {  	[tilespmem:s9], [sflag:$0x1] =	stream.indirect_vreg.gather [hbm4b:s4+s3], $0x80, v4, vm0, $0xb8;
	[tilespmem:$0x18080] =	vst v63  }
0x70: {  	s9 =	simm.s32 $0xD080  }
0x71: {  	[tilespmem:s9], [sflag:$0x1] =	stream.indirect_vreg.gather [hbm4b:s5+s3], $0x80, v4, vm0, $0xb8;
	[tilespmem:$0x18080] =	vst v63  }
0x72: {  	s9 =	simm.s32 $0xD880  }
0x73: {  	[tilespmem:s9], [sflag:$0x1] =	stream.indirect_vreg.gather [hbm4b:s1+s3], $0x80, v3, vm0, $0xb8;
	[tilespmem:$0x18080] =	vst v63  }
0x74: {  	s9 =	simm.s32 $0xE080  }
0x75: {  	[tilespmem:s9], [sflag:$0x1] =	stream.indirect_vreg.gather [hbm4b:s4+s3], $0x80, v3, vm0, $0xb8;
	[tilespmem:$0x18080] =	vst v63  }
0x76: {  	s9 =	simm.s32 $0xE880  }
0x77: {  	[tilespmem:s9], [sflag:$0x1] =	stream.indirect_vreg.gather [hbm4b:s5+s3], $0x80, v3, vm0, $0xb8;
	[tilespmem:$0x18080] =	vst v63  }
0x78: {  	v3 =	vld [tilespmem:$0x50];
	_ =	sdelay $0x4  }
0x79: {  	v53 =	vshrl.u32 v3, $0x3  }
0x7a: {  	v4 =	vmul.u32 $0x30, v53  }
0x7b: {  	v3 =	vand.u32 $0x7, v3  }
0x7c: {  	v3 =	vor.u32 v3, v4  }
0x7d: {  	v4 =	vperm.xlane v3, v0;
	_ =	sdelay $0x1  }
0x7e: {  	v4 =	vadd.s32 v1, v4;
	_ =	sdelay $0x3  }
0x7f: {  	s9 =	simm.s32 $0xF080;
	v3 =	vperm.xlane v3, v2  }
0x80: {  	[tilespmem:s9], [sflag:$0x1] =	stream.indirect_vreg.gather [hbm4b:s1+s3], $0x80, v4, vm0, $0xb8;
	[tilespmem:$0x18080] =	vst v63  }
0x81: {  	v3 =	vadd.s32 v1, v3;
	s9 =	simm.s32 $0xF880  }
0x82: {  	[tilespmem:s9], [sflag:$0x1] =	stream.indirect_vreg.gather [hbm4b:s4+s3], $0x80, v4, vm0, $0xb8;
	[tilespmem:$0x18080] =	vst v63  }
0x83: {  	s9 =	simm.s32 $0x10080  }
0x84: {  	[tilespmem:s9], [sflag:$0x1] =	stream.indirect_vreg.gather [hbm4b:s5+s3], $0x80, v4, vm0, $0xb8;
	[tilespmem:$0x18080] =	vst v63  }
0x85: {  	s9 =	simm.s32 $0x10880  }
0x86: {  	[tilespmem:s9], [sflag:$0x1] =	stream.indirect_vreg.gather [hbm4b:s1+s3], $0x80, v3, vm0, $0xb8;
	[tilespmem:$0x18080] =	vst v63  }
0x87: {  	s9 =	simm.s32 $0x11080  }
0x88: {  	[tilespmem:s9], [sflag:$0x1] =	stream.indirect_vreg.gather [hbm4b:s4+s3], $0x80, v3, vm0, $0xb8;
	[tilespmem:$0x18080] =	vst v63  }
0x89: {  	s9 =	simm.s32 $0x11880  }
0x8a: {  	[tilespmem:s9], [sflag:$0x1] =	stream.indirect_vreg.gather [hbm4b:s5+s3], $0x80, v3, vm0, $0xb8;
	[tilespmem:$0x18080] =	vst v63  }
0x8b: {  	v3 =	vld [tilespmem:$0x60];
	_ =	sdelay $0x4  }
0x8c: {  	v54 =	vshrl.u32 v3, $0x3  }
0x8d: {  	v4 =	vmul.u32 $0x30, v54  }
0x8e: {  	v3 =	vand.u32 $0x7, v3  }
0x8f: {  	v3 =	vor.u32 v3, v4  }
0x90: {  	v4 =	vperm.xlane v3, v0;
	_ =	sdelay $0x1  }
0x91: {  	v4 =	vadd.s32 v1, v4;
	_ =	sdelay $0x3  }
0x92: {  	s9 =	simm.s32 $0x12080;
	v3 =	vperm.xlane v3, v2  }
0x93: {  	[tilespmem:s9], [sflag:$0x1] =	stream.indirect_vreg.gather [hbm4b:s1+s3], $0x80, v4, vm0, $0xb8;
	[tilespmem:$0x18080] =	vst v63  }
0x94: {  	v3 =	vadd.s32 v1, v3;
	s9 =	simm.s32 $0x12880  }
0x95: {  	[tilespmem:s9], [sflag:$0x1] =	stream.indirect_vreg.gather [hbm4b:s4+s3], $0x80, v4, vm0, $0xb8;
	[tilespmem:$0x18080] =	vst v63  }
0x96: {  	s9 =	simm.s32 $0x13080  }
0x97: {  	[tilespmem:s9], [sflag:$0x1] =	stream.indirect_vreg.gather [hbm4b:s5+s3], $0x80, v4, vm0, $0xb8;
	[tilespmem:$0x18080] =	vst v63  }
0x98: {  	s9 =	simm.s32 $0x13880  }
0x99: {  	[tilespmem:s9], [sflag:$0x1] =	stream.indirect_vreg.gather [hbm4b:s1+s3], $0x80, v3, vm0, $0xb8;
	[tilespmem:$0x18080] =	vst v63  }
0x9a: {  	s9 =	simm.s32 $0x14080  }
0x9b: {  	[tilespmem:s9], [sflag:$0x1] =	stream.indirect_vreg.gather [hbm4b:s4+s3], $0x80, v3, vm0, $0xb8;
	[tilespmem:$0x18080] =	vst v63  }
0x9c: {  	s9 =	simm.s32 $0x14880  }
0x9d: {  	[tilespmem:s9], [sflag:$0x1] =	stream.indirect_vreg.gather [hbm4b:s5+s3], $0x80, v3, vm0, $0xb8;
	[tilespmem:$0x18080] =	vst v63  }
0x9e: {  	v3 =	vld [tilespmem:$0x70];
	_ =	sdelay $0x4  }
0x9f: {  	v55 =	vshrl.u32 v3, $0x3  }
0xa0: {  	v4 =	vmul.u32 $0x30, v55  }
0xa1: {  	v3 =	vand.u32 $0x7, v3  }
0xa2: {  	v3 =	vor.u32 v3, v4  }
0xa3: {  	v4 =	vperm.xlane v3, v0;
	_ =	sdelay $0x1  }
0xa4: {  	v4 =	vadd.s32 v1, v4;
	_ =	sdelay $0x3  }
0xa5: {  	s9 =	simm.s32 $0x15080;
	v3 =	vperm.xlane v3, v2  }
0xa6: {  	[tilespmem:s9], [sflag:$0x1] =	stream.indirect_vreg.gather [hbm4b:s1+s3], $0x80, v4, vm0, $0xb8;
	[tilespmem:$0x18080] =	vst v63  }
0xa7: {  	v3 =	vadd.s32 v1, v3;
	s9 =	simm.s32 $0x15880  }
0xa8: {  	[tilespmem:s9], [sflag:$0x1] =	stream.indirect_vreg.gather [hbm4b:s4+s3], $0x80, v4, vm0, $0xb8;
	[tilespmem:$0x18080] =	vst v63  }
0xa9: {  	s9 =	simm.s32 $0x16080  }
0xaa: {  	[tilespmem:s9], [sflag:$0x1] =	stream.indirect_vreg.gather [hbm4b:s5+s3], $0x80, v4, vm0, $0xb8;
	[tilespmem:$0x18080] =	vst v63  }
0xab: {  	s9 =	simm.s32 $0x16880  }
0xac: {  	[tilespmem:s9], [sflag:$0x1] =	stream.indirect_vreg.gather [hbm4b:s1+s3], $0x80, v3, vm0, $0xb8;
	[tilespmem:$0x18080] =	vst v63  }
0xad: {  	s9 =	simm.s32 $0x17080  }
0xae: {  	[tilespmem:s9], [sflag:$0x1] =	stream.indirect_vreg.gather [hbm4b:s4+s3], $0x80, v3, vm0, $0xb8;
	[tilespmem:$0x18080] =	vst v63  }
0xaf: {  	s9 =	simm.s32 $0x17880  }
0xb0: {  	[tilespmem:s9], [sflag:$0x1] =	stream.indirect_vreg.gather [hbm4b:s5+s3], $0x80, v3, vm0, $0xb8;
	[tilespmem:$0x18080] =	vst v63  }
0xb1: {  	_ =	swait.ge [sflag:s2], $0x18000  }
0xb2: {  	[sflag:s2] =	ssyncset.done $0x0  }
0xb3: {  	s0 =	simm.s32 $0x80;
	s9 =	rddreg [dreg:$0x4];
	[sflag:s2] =	ssyncadd.s32 $0xFFFE8000  }
0xb4: {  	[hbm4b:s9+s3] =	stream.linear.scatter [tilespmem:s0], [sflag:$0x2], $0x18000, $0x38;
	[tilespmem:$0x18080] =	vst v63  }
0xb5: {  	_ =	swait.ge [sflag:s7], $0x18000  }
0xb6: {  	[sflag:s7] =	ssyncset.done $0x0  }
0xb7: {  	s9 =	rddreg [dreg:$0x5];
	[sflag:s7] =	ssyncadd.s32 $0xFFFE8000  }
0xb8: {  	[tilespmem:s3], [sflag:$0x2] =	stream.linear.gather [hbm4b:s9+s3], $0x80, $0x38;
	[tilespmem:$0x18080] =	vst v63  }
0xb9: {  	_ =	swait.ge [sflag:s7], $0x80  }
0xba: {  	[sflag:s7] =	ssyncset.done $0x0  }
0xbb: {  	[sflag:s7] =	ssyncadd.s32 $0xFFFFFF80  }
0xbc: {  	v3 =	vld [tilespmem:$0x0];
	_ =	sdelay $0x4  }
0xbd: {  	v56 =	vshrl.u32 v3, $0x3  }
0xbe: {  	v4 =	vmul.u32 $0x30, v56  }
0xbf: {  	v3 =	vand.u32 $0x7, v3  }
0xc0: {  	v3 =	vor.u32 v3, v4  }
0xc1: {  	v4 =	vperm.xlane v3, v0;
	_ =	sdelay $0x1  }
0xc2: {  	v4 =	vadd.s32 v1, v4;
	_ =	sdelay $0x3  }
0xc3: {  	v3 =	vperm.xlane v3, v2  }
0xc4: {  	[tilespmem:s0], [sflag:$0x1] =	stream.indirect_vreg.gather [hbm4b:s1+s3], $0x80, v4, vm0, $0xb8;
	[tilespmem:$0x18080] =	vst v63  }
0xc5: {  	v3 =	vadd.s32 v1, v3  }
0xc6: {  	[tilespmem:s10], [sflag:$0x1] =	stream.indirect_vreg.gather [hbm4b:s4+s3], $0x80, v4, vm0, $0xb8;
	[tilespmem:$0x18080] =	vst v63  }
0xc7: {  	_ = 	snop  }
0xc8: {  	[tilespmem:s11], [sflag:$0x1] =	stream.indirect_vreg.gather [hbm4b:s5+s3], $0x80, v4, vm0, $0xb8;
	[tilespmem:$0x18080] =	vst v63  }
0xc9: {  	_ = 	snop  }
0xca: {  	[tilespmem:s12], [sflag:$0x1] =	stream.indirect_vreg.gather [hbm4b:s1+s3], $0x80, v3, vm0, $0xb8;
	[tilespmem:$0x18080] =	vst v63  }
0xcb: {  	_ = 	snop  }
0xcc: {  	[tilespmem:s13], [sflag:$0x1] =	stream.indirect_vreg.gather [hbm4b:s4+s3], $0x80, v3, vm0, $0xb8;
	[tilespmem:$0x18080] =	vst v63  }
0xcd: {  	_ = 	snop  }
0xce: {  	[tilespmem:s14], [sflag:$0x1] =	stream.indirect_vreg.gather [hbm4b:s5+s3], $0x80, v3, vm0, $0xb8;
	[tilespmem:$0x18080] =	vst v63  }
0xcf: {  	v3 =	vld [tilespmem:$0x10];
	_ =	sdelay $0x4  }
0xd0: {  	v57 =	vshrl.u32 v3, $0x3  }
0xd1: {  	v4 =	vmul.u32 $0x30, v57  }
0xd2: {  	v3 =	vand.u32 $0x7, v3  }
0xd3: {  	v3 =	vor.u32 v3, v4  }
0xd4: {  	v4 =	vperm.xlane v3, v0;
	_ =	sdelay $0x1  }
0xd5: {  	v4 =	vadd.s32 v1, v4;
	_ =	sdelay $0x3  }
0xd6: {  	v3 =	vperm.xlane v3, v2  }
0xd7: {  	[tilespmem:s15], [sflag:$0x1] =	stream.indirect_vreg.gather [hbm4b:s1+s3], $0x80, v4, vm0, $0xb8;
	[tilespmem:$0x18080] =	vst v63  }
0xd8: {  	v3 =	vadd.s32 v1, v3  }
0xd9: {  	[tilespmem:s16], [sflag:$0x1] =	stream.indirect_vreg.gather [hbm4b:s4+s3], $0x80, v4, vm0, $0xb8;
	[tilespmem:$0x18080] =	vst v63  }
0xda: {  	_ = 	snop  }
0xdb: {  	[tilespmem:s17], [sflag:$0x1] =	stream.indirect_vreg.gather [hbm4b:s5+s3], $0x80, v4, vm0, $0xb8;
	[tilespmem:$0x18080] =	vst v63  }
0xdc: {  	_ = 	snop  }
0xdd: {  	[tilespmem:s18], [sflag:$0x1] =	stream.indirect_vreg.gather [hbm4b:s1+s3], $0x80, v3, vm0, $0xb8;
	[tilespmem:$0x18080] =	vst v63  }
0xde: {  	_ = 	snop  }
0xdf: {  	[tilespmem:s19], [sflag:$0x1] =	stream.indirect_vreg.gather [hbm4b:s4+s3], $0x80, v3, vm0, $0xb8;
	[tilespmem:$0x18080] =	vst v63  }
0xe0: {  	_ = 	snop  }
0xe1: {  	[tilespmem:s20], [sflag:$0x1] =	stream.indirect_vreg.gather [hbm4b:s5+s3], $0x80, v3, vm0, $0xb8;
	[tilespmem:$0x18080] =	vst v63  }
0xe2: {  	v3 =	vld [tilespmem:$0x20];
	_ =	sdelay $0x4  }
0xe3: {  	v58 =	vshrl.u32 v3, $0x3  }
0xe4: {  	v4 =	vmul.u32 $0x30, v58  }
0xe5: {  	v3 =	vand.u32 $0x7, v3  }
0xe6: {  	v3 =	vor.u32 v3, v4  }
0xe7: {  	v4 =	vperm.xlane v3, v0;
	_ =	sdelay $0x1  }
0xe8: {  	v4 =	vadd.s32 v1, v4;
	_ =	sdelay $0x3  }
0xe9: {  	v3 =	vperm.xlane v3, v2  }
0xea: {  	[tilespmem:s21], [sflag:$0x1] =	stream.indirect_vreg.gather [hbm4b:s1+s3], $0x80, v4, vm0, $0xb8;
	[tilespmem:$0x18080] =	vst v63  }
0xeb: {  	v3 =	vadd.s32 v1, v3  }
0xec: {  	[tilespmem:s22], [sflag:$0x1] =	stream.indirect_vreg.gather [hbm4b:s4+s3], $0x80, v4, vm0, $0xb8;
	[tilespmem:$0x18080] =	vst v63  }
0xed: {  	_ = 	snop  }
0xee: {  	[tilespmem:s23], [sflag:$0x1] =	stream.indirect_vreg.gather [hbm4b:s5+s3], $0x80, v4, vm0, $0xb8;
	[tilespmem:$0x18080] =	vst v63  }
0xef: {  	_ = 	snop  }
0xf0: {  	[tilespmem:s24], [sflag:$0x1] =	stream.indirect_vreg.gather [hbm4b:s1+s3], $0x80, v3, vm0, $0xb8;
	[tilespmem:$0x18080] =	vst v63  }
0xf1: {  	_ = 	snop  }
0xf2: {  	[tilespmem:s25], [sflag:$0x1] =	stream.indirect_vreg.gather [hbm4b:s4+s3], $0x80, v3, vm0, $0xb8;
	[tilespmem:$0x18080] =	vst v63  }
0xf3: {  	_ = 	snop  }
0xf4: {  	[tilespmem:s26], [sflag:$0x1] =	stream.indirect_vreg.gather [hbm4b:s5+s3], $0x80, v3, vm0, $0xb8;
	[tilespmem:$0x18080] =	vst v63  }
0xf5: {  	v3 =	vld [tilespmem:$0x30];
	_ =	sdelay $0x4  }
0xf6: {  	v59 =	vshrl.u32 v3, $0x3  }
0xf7: {  	v4 =	vmul.u32 $0x30, v59  }
0xf8: {  	v3 =	vand.u32 $0x7, v3  }
0xf9: {  	v3 =	vor.u32 v3, v4  }
0xfa: {  	v4 =	vperm.xlane v3, v0;
	_ =	sdelay $0x1  }
0xfb: {  	v4 =	vadd.s32 v1, v4;
	_ =	sdelay $0x3  }
0xfc: {  	v3 =	vperm.xlane v3, v2  }
0xfd: {  	[tilespmem:s28], [sflag:$0x1] =	stream.indirect_vreg.gather [hbm4b:s1+s3], $0x80, v4, vm0, $0xb8;
	[tilespmem:$0x18080] =	vst v63  }
0xfe: {  	v3 =	vadd.s32 v1, v3  }
0xff: {  	[tilespmem:s29], [sflag:$0x1] =	stream.indirect_vreg.gather [hbm4b:s4+s3], $0x80, v4, vm0, $0xb8;
	[tilespmem:$0x18080] =	vst v63  }
0x100: {  	_ = 	snop  }
0x101: {  	[tilespmem:s30], [sflag:$0x1] =	stream.indirect_vreg.gather [hbm4b:s5+s3], $0x80, v4, vm0, $0xb8;
	[tilespmem:$0x18080] =	vst v63  }
0x102: {  	_ = 	snop  }
0x103: {  	[tilespmem:s31], [sflag:$0x1] =	stream.indirect_vreg.gather [hbm4b:s1+s3], $0x80, v3, vm0, $0xb8;
	[tilespmem:$0x18080] =	vst v63  }
0x104: {  	s9 =	simm.s32 $0xB080  }
0x105: {  	[tilespmem:s9], [sflag:$0x1] =	stream.indirect_vreg.gather [hbm4b:s4+s3], $0x80, v3, vm0, $0xb8;
	[tilespmem:$0x18080] =	vst v63  }
0x106: {  	_ = 	snop  }
0x107: {  	[tilespmem:s8], [sflag:$0x1] =	stream.indirect_vreg.gather [hbm4b:s5+s3], $0x80, v3, vm0, $0xb8;
	[tilespmem:$0x18080] =	vst v63  }
0x108: {  	v3 =	vld [tilespmem:$0x40];
	_ =	sdelay $0x4  }
0x109: {  	v60 =	vshrl.u32 v3, $0x3  }
0x10a: {  	v4 =	vmul.u32 $0x30, v60  }
0x10b: {  	v3 =	vand.u32 $0x7, v3  }
0x10c: {  	v3 =	vor.u32 v3, v4  }
0x10d: {  	v4 =	vperm.xlane v3, v0;
	_ =	sdelay $0x1  }
0x10e: {  	v4 =	vadd.s32 v1, v4;
	_ =	sdelay $0x3  }
0x10f: {  	s9 =	simm.s32 $0xC080;
	v3 =	vperm.xlane v3, v2  }
0x110: {  	[tilespmem:s9], [sflag:$0x1] =	stream.indirect_vreg.gather [hbm4b:s1+s3], $0x80, v4, vm0, $0xb8;
	[tilespmem:$0x18080] =	vst v63  }
0x111: {  	v3 =	vadd.s32 v1, v3;
	s9 =	simm.s32 $0xC880  }
0x112: {  	[tilespmem:s9], [sflag:$0x1] =	stream.indirect_vreg.gather [hbm4b:s4+s3], $0x80, v4, vm0, $0xb8;
	[tilespmem:$0x18080] =	vst v63  }
0x113: {  	s9 =	simm.s32 $0xD080  }
0x114: {  	[tilespmem:s9], [sflag:$0x1] =	stream.indirect_vreg.gather [hbm4b:s5+s3], $0x80, v4, vm0, $0xb8;
	[tilespmem:$0x18080] =	vst v63  }
0x115: {  	s9 =	simm.s32 $0xD880  }
0x116: {  	[tilespmem:s9], [sflag:$0x1] =	stream.indirect_vreg.gather [hbm4b:s1+s3], $0x80, v3, vm0, $0xb8;
	[tilespmem:$0x18080] =	vst v63  }
0x117: {  	s9 =	simm.s32 $0xE080  }
0x118: {  	[tilespmem:s9], [sflag:$0x1] =	stream.indirect_vreg.gather [hbm4b:s4+s3], $0x80, v3, vm0, $0xb8;
	[tilespmem:$0x18080] =	vst v63  }
0x119: {  	s9 =	simm.s32 $0xE880  }
0x11a: {  	[tilespmem:s9], [sflag:$0x1] =	stream.indirect_vreg.gather [hbm4b:s5+s3], $0x80, v3, vm0, $0xb8;
	[tilespmem:$0x18080] =	vst v63  }
0x11b: {  	v3 =	vld [tilespmem:$0x50];
	_ =	sdelay $0x4  }
0x11c: {  	v61 =	vshrl.u32 v3, $0x3  }
0x11d: {  	v4 =	vmul.u32 $0x30, v61  }
0x11e: {  	v3 =	vand.u32 $0x7, v3  }
0x11f: {  	v3 =	vor.u32 v3, v4  }
0x120: {  	v4 =	vperm.xlane v3, v0;
	_ =	sdelay $0x1  }
0x121: {  	v4 =	vadd.s32 v1, v4;
	_ =	sdelay $0x3  }
0x122: {  	s9 =	simm.s32 $0xF080;
	v3 =	vperm.xlane v3, v2  }
0x123: {  	[tilespmem:s9], [sflag:$0x1] =	stream.indirect_vreg.gather [hbm4b:s1+s3], $0x80, v4, vm0, $0xb8;
	[tilespmem:$0x18080] =	vst v63  }
0x124: {  	v3 =	vadd.s32 v1, v3;
	s9 =	simm.s32 $0xF880  }
0x125: {  	[tilespmem:s9], [sflag:$0x1] =	stream.indirect_vreg.gather [hbm4b:s4+s3], $0x80, v4, vm0, $0xb8;
	[tilespmem:$0x18080] =	vst v63  }
0x126: {  	s9 =	simm.s32 $0x10080  }
0x127: {  	[tilespmem:s9], [sflag:$0x1] =	stream.indirect_vreg.gather [hbm4b:s5+s3], $0x80, v4, vm0, $0xb8;
	[tilespmem:$0x18080] =	vst v63  }
0x128: {  	s9 =	simm.s32 $0x10880  }
0x129: {  	[tilespmem:s9], [sflag:$0x1] =	stream.indirect_vreg.gather [hbm4b:s1+s3], $0x80, v3, vm0, $0xb8;
	[tilespmem:$0x18080] =	vst v63  }
0x12a: {  	s9 =	simm.s32 $0x11080  }
0x12b: {  	[tilespmem:s9], [sflag:$0x1] =	stream.indirect_vreg.gather [hbm4b:s4+s3], $0x80, v3, vm0, $0xb8;
	[tilespmem:$0x18080] =	vst v63  }
0x12c: {  	s9 =	simm.s32 $0x11880  }
0x12d: {  	[tilespmem:s9], [sflag:$0x1] =	stream.indirect_vreg.gather [hbm4b:s5+s3], $0x80, v3, vm0, $0xb8;
	[tilespmem:$0x18080] =	vst v63  }
0x12e: {  	v3 =	vld [tilespmem:$0x60];
	_ =	sdelay $0x4  }
0x12f: {  	v62 =	vshrl.u32 v3, $0x3  }
0x130: {  	v4 =	vmul.u32 $0x30, v62  }
0x131: {  	v3 =	vand.u32 $0x7, v3  }
0x132: {  	v3 =	vor.u32 v3, v4  }
0x133: {  	v4 =	vperm.xlane v3, v0;
	_ =	sdelay $0x1  }
0x134: {  	v4 =	vadd.s32 v1, v4;
	_ =	sdelay $0x3  }
0x135: {  	s9 =	simm.s32 $0x12080;
	v3 =	vperm.xlane v3, v2  }
0x136: {  	[tilespmem:s9], [sflag:$0x1] =	stream.indirect_vreg.gather [hbm4b:s1+s3], $0x80, v4, vm0, $0xb8;
	[tilespmem:$0x18080] =	vst v63  }
0x137: {  	v3 =	vadd.s32 v1, v3;
	s9 =	simm.s32 $0x12880  }
0x138: {  	[tilespmem:s9], [sflag:$0x1] =	stream.indirect_vreg.gather [hbm4b:s4+s3], $0x80, v4, vm0, $0xb8;
	[tilespmem:$0x18080] =	vst v63  }
0x139: {  	s9 =	simm.s32 $0x13080  }
0x13a: {  	[tilespmem:s9], [sflag:$0x1] =	stream.indirect_vreg.gather [hbm4b:s5+s3], $0x80, v4, vm0, $0xb8;
	[tilespmem:$0x18080] =	vst v63  }
0x13b: {  	s9 =	simm.s32 $0x13880  }
0x13c: {  	[tilespmem:s9], [sflag:$0x1] =	stream.indirect_vreg.gather [hbm4b:s1+s3], $0x80, v3, vm0, $0xb8;
	[tilespmem:$0x18080] =	vst v63  }
0x13d: {  	s9 =	simm.s32 $0x14080  }
0x13e: {  	[tilespmem:s9], [sflag:$0x1] =	stream.indirect_vreg.gather [hbm4b:s4+s3], $0x80, v3, vm0, $0xb8;
	[tilespmem:$0x18080] =	vst v63  }
0x13f: {  	s9 =	simm.s32 $0x14880  }
0x140: {  	[tilespmem:s9], [sflag:$0x1] =	stream.indirect_vreg.gather [hbm4b:s5+s3], $0x80, v3, vm0, $0xb8;
	[tilespmem:$0x18080] =	vst v63  }
0x141: {  	v3 =	vld [tilespmem:$0x70];
	_ =	sdelay $0x4  }
0x142: {  	v63 =	vshrl.u32 v3, $0x3  }
0x143: {  	v4 =	vmul.u32 $0x30, v63  }
0x144: {  	v3 =	vand.u32 $0x7, v3  }
0x145: {  	v3 =	vor.u32 v3, v4  }
0x146: {  	v4 =	vperm.xlane v3, v0;
	_ =	sdelay $0x1  }
0x147: {  	v4 =	vadd.s32 v1, v4;
	_ =	sdelay $0x3  }
0x148: {  	s9 =	simm.s32 $0x15080;
	v3 =	vperm.xlane v3, v2  }
0x149: {  	[tilespmem:s9], [sflag:$0x1] =	stream.indirect_vreg.gather [hbm4b:s1+s3], $0x80, v4, vm0, $0xb8;
	[tilespmem:$0x18080] =	vst v63  }
0x14a: {  	v3 =	vadd.s32 v1, v3;
	s9 =	simm.s32 $0x15880  }
0x14b: {  	[tilespmem:s9], [sflag:$0x1] =	stream.indirect_vreg.gather [hbm4b:s4+s3], $0x80, v4, vm0, $0xb8;
	[tilespmem:$0x18080] =	vst v63  }
0x14c: {  	s9 =	simm.s32 $0x16080  }
0x14d: {  	[tilespmem:s9], [sflag:$0x1] =	stream.indirect_vreg.gather [hbm4b:s5+s3], $0x80, v4, vm0, $0xb8;
	[tilespmem:$0x18080] =	vst v63  }
0x14e: {  	s9 =	simm.s32 $0x16880  }
0x14f: {  	[tilespmem:s9], [sflag:$0x1] =	stream.indirect_vreg.gather [hbm4b:s1+s3], $0x80, v3, vm0, $0xb8;
	[tilespmem:$0x18080] =	vst v63  }
0x150: {  	s9 =	simm.s32 $0x17080  }
0x151: {  	[tilespmem:s9], [sflag:$0x1] =	stream.indirect_vreg.gather [hbm4b:s4+s3], $0x80, v3, vm0, $0xb8;
	[tilespmem:$0x18080] =	vst v63  }
0x152: {  	s9 =	simm.s32 $0x17880  }
0x153: {  	[tilespmem:s9], [sflag:$0x1] =	stream.indirect_vreg.gather [hbm4b:s5+s3], $0x80, v3, vm0, $0xb8;
	[tilespmem:$0x18080] =	vst v63  }
0x154: {  	_ =	swait.ge [sflag:s2], $0x18000  }
0x155: {  	p0 =	sne.s32 s6, $0x1;
	s0 =	simm.s32 $0x80;
	[sflag:s2] =	ssyncset.done $0x0  }
.Ltmp0:
0x156: {  	s9 =	rddreg [dreg:$0x6];
	[sflag:s2] =	ssyncadd.s32 $0xFFFE8000;
	(pc) =	sbr.rel @p0 .LBB2_1-.Ltmp0, $4  }
0x157: {  	[hbm4b:s9+s3] =	stream.linear.scatter [tilespmem:s0], [sflag:$0x2], $0x18000, $0x38;
	[tilespmem:$0x18080] =	vst v63  }
0x158: {  	_ =	swait.ge [sflag:s7], $0x18000  }
0x159: {  	[sflag:s7] =	ssyncset.done $0x0  }
0x15a: {  	s6 =	sadd.s32 $0xFFFFFFFF, s6;
	[sflag:s7] =	ssyncadd.s32 $0xFFFE8000  }
0x15b: {  	_ =	sfence.sel $0x180000  }
0x15c: {  	[bflag:$0x0] =	sbarrier.arrive $0xFFFF  }
0x15d: {  	_ =	strace $0x90000047  }
0x15e: {  	s0 =	stileid.u32;
	[bflag:$0x2] =	sbarrier.arrive $0xFFFF  }
0x15f: {  	p0 =	sne.s32 s0, $0x0;
	s0 =	rddreg [dreg:$0x2]  }
0x160: {  	s0 =	sadd.s32 @!p0 $0x100000, s0  }
0x161: {  	[sflag:s0] =	ssyncadd.tile.s32 @!p0 $0x1;
	_ =	shalt  }
.Lfunc_end2:
_tile_overlayer_lowered:
.L_overlay_start_2:
0x162: {  	(tag) =	ssettag $0x2  }
0x163: {  	s0 =	rddreg [dreg:$0x0];
	s2 =	stileid.u32  }
0x164: {  	s1 =	rddreg [dreg:$0x1];
	p0 =	sne.s32 s2, $0x0  }
0x165: {  	s3 =	rddreg [dreg:$0x2];
	[bflag:$0x3] =	sbarrier.arrive $0xFFFF;
	s2 =	simm.s32 @!p0 $0x1C02  }
0x166: {  	[timem:s3], [sflag:s2] =	dma.local @!p0 [hbm:s0], s1  }
0x167: {  	s0 =	simm.s32 @!p0 $0x2  }
0x168: {  	_ =	swait.ge @!p0 [sflag:s0], s1  }
0x169: {  	s1 =	ssub.s32 @!p0 $0x0, s1;
	[sflag:s0] =	ssyncset.done @!p0 $0x0  }
0x16a: {  	[sflag:s0] =	ssyncadd.s32 @!p0 s1  }
0x16b: {  	[bflag:$0x3] =	sbarrier.arrive $0xFFFF  }
0x16c: {  	_ =	shalt  }

</sc_bundles>
